<compile_context>
chip_gen: v7x
topology: tpu7x:2x2x1
jax: 0.10.2.dev20260603
libtpu: 0.0.44.dev20260713+nightly
codegen_flags: <defaults>
</compile_context>

<pallas_src>
import functools

import jax
import jax.numpy as jnp
from jax import lax
from jax.experimental import pallas as pl
from jax.experimental.pallas import tpu as pltpu
from jax.experimental.pallas import tpu_sc as plsc

BASE_DAYS = 18628
SUB = 11
OUT_D = 6 * SUB
OUT_DP = 72
NUM_DAYS = 1460
TABLE_ROWS = 1472

_NC = 2
_NS = 16
_NW = _NC * _NS


def _civil(z):
    era = z // 146097
    doe = z - era * 146097
    yoe = (doe - doe // 1460 + doe // 36524 - doe // 146096) // 365
    y = yoe + era * 400
    doy = doe - (365 * yoe + yoe // 4 - yoe // 100)
    mp = (5 * doy + 2) // 153
    d = doy - (153 * mp + 2) // 5 + 1
    m = mp + jnp.where(mp < 10, 3, -9)
    y = y + (m <= 2).astype(y.dtype)
    return y, m, d


def _table_body(W_dow, W_month, W_quarter, dom_w, dom_b, doy_w, doy_b,
                bin_w, bin_b, table):
    i32 = jnp.int32
    idx = lax.broadcasted_iota(i32, (TABLE_ROWS, 1), 0)
    days = idx + BASE_DAYS
    z = days + 719468
    y, m, d = _civil(z)

    dow = (days + 3) % 7
    yy = y - 1
    era1 = yy // 400
    yoe1 = yy - era1 * 400
    doe1 = yoe1 * 365 + yoe1 // 4 - yoe1 // 100 + 306
    jan1 = era1 * 146097 + doe1 - 719468
    doyf = (days - jan1 + 1).astype(jnp.float32)
    domf = d.astype(jnp.float32)
    month0 = m - 1
    quarter = month0 // 3
    _, m_next, _ = _civil(z + 1)
    ims = d == 1
    ime = m_next != m
    flags = [
        ims,
        ime,
        ims & (month0 % 3 == 0),
        ime & (m % 3 == 0),
        ims & (m == 1),
        (m == 12) & (d == 31),
    ]

    def emb(sel, W, nrows):
        acc = jnp.zeros((TABLE_ROWS, SUB), jnp.float32)
        for k in range(nrows):
            acc += jnp.where(sel == k, 1.0, 0.0) * W[k:k + 1, :]
        return acc

    seg_dow = emb(dow, W_dow, 7)
    seg_dom = domf * dom_w[0:1, :] + dom_b[0:1, :]
    seg_doy = doyf * doy_w[0:1, :] + doy_b[0:1, :]
    seg_month = emb(month0, W_month, 12)
    seg_quarter = emb(quarter, W_quarter, 4)

    seg_bin = jnp.zeros((TABLE_ROWS, SUB), jnp.float32)
    for h in range(6):
        seg_bin += bin_b[0:1, h * SUB:(h + 1) * SUB]
    for g, flag in enumerate(flags):
        w_eff = jnp.zeros((1, SUB), jnp.float32)
        for h in range(6):
            w_eff += bin_w[g:g + 1, h * SUB:(h + 1) * SUB]
        seg_bin += jnp.where(flag, 1.0, 0.0) * w_eff

    pad = jnp.zeros((TABLE_ROWS, OUT_DP - OUT_D), jnp.float32)
    table[...] = jnp.concatenate(
        [seg_dow, seg_dom, seg_doy, seg_month, seg_quarter, seg_bin, pad],
        axis=1)


def _build_table(W_dow, W_month, W_quarter, dom_w, dom_b, doy_w, doy_b,
                 bin_w, bin_b):
    return pl.pallas_call(
        _table_body,
        out_shape=jax.ShapeDtypeStruct((TABLE_ROWS, OUT_DP), jnp.float32),
    )(W_dow, W_month, W_quarter, dom_w, dom_b, doy_w, doy_b, bin_w, bin_b)



_CHUNK = 128
_SUPER = 5
_NBUF = 2


def _make_gather(n_rows):
    rows_per_w = n_rows // _NW
    idx_rows_w = rows_per_w // _CHUNK
    sc_rows = _SUPER * _CHUNK
    n_iter = rows_per_w // (sc_rows * _NBUF)
    mesh = plsc.VectorSubcoreMesh(core_axis_name="c", subcore_axis_name="s")

    @functools.partial(
        pl.kernel,
        mesh=mesh,
        out_type=jax.ShapeDtypeStruct((n_rows, OUT_DP), jnp.float32),
        compiler_params=pltpu.CompilerParams(use_tc_tiling_on_sc=False),
        scratch_types=[
            pltpu.VMEM((idx_rows_w, _CHUNK), jnp.int32),
            pltpu.VMEM((_NBUF, sc_rows, OUT_DP), jnp.float32),
            pltpu.SemaphoreType.DMA,
            pltpu.SemaphoreType.DMA,
            pltpu.SemaphoreType.DMA,
        ],
    )
    def gather_kernel(table_hbm, idx_hbm, out_hbm, idx_all, rows_v,
                      sem0, sem1, wsem):
        wid = lax.axis_index("s") * _NC + lax.axis_index("c")
        pltpu.sync_copy(idx_hbm.at[pl.ds(wid * idx_rows_w, idx_rows_w)],
                        idx_all)
        gsems = [sem0, sem1]

        def body(g, _):
            base = wid * rows_per_w + g * (_NBUF * sc_rows)
            gathers = [[] for _b in range(_NBUF)]
            for b in range(_NBUF):
                for j in range(_SUPER):
                    gathers[b].append(pltpu.async_copy(
                        table_hbm.at[
                            idx_all.at[g * (_NBUF * _SUPER) + b * _SUPER + j]],
                        rows_v.at[b, pl.ds(j * _CHUNK, _CHUNK)],
                        gsems[b]))
            writes = []
            for b in range(_NBUF):
                for cp in gathers[b]:
                    cp.wait()
                writes.append(pltpu.async_copy(
                    rows_v.at[b],
                    out_hbm.at[pl.ds(base + b * sc_rows, sc_rows)],
                    wsem))
            for w in writes:
                w.wait()
            return _

        lax.fori_loop(0, n_iter, body, None)

    return gather_kernel


def kernel(day_indices, W_dow, W_month, W_quarter, dom_w, dom_b, doy_w, doy_b,
           bin_w, bin_b):
    B, L = day_indices.shape
    n = B * L
    table = _build_table(
        W_dow, W_month, W_quarter, dom_w, dom_b.reshape(1, SUB),
        doy_w, doy_b.reshape(1, SUB), bin_w, bin_b.reshape(1, 6 * SUB))
    idx2d = day_indices.reshape(n // _CHUNK, _CHUNK)
    out = _make_gather(n)(table, idx2d)
    return out[:, :OUT_D].reshape(B, L, OUT_D)

# --- scband reference (transcript-rebuilt; emitter-appended) ---
"""Pipeline reference for scband-calendar-time-encoder-8976481648997 (READ-ONLY COPY).

The authoritative reference and input builder live on the scoring server;
editing this copy changes nothing except your own understanding.
"""

import jax, jax.numpy as jnp
import numpy as np

BASE_DAYS = 18628  # days from 1970-01-01 to 2021-01-01
EMBED_DIM = 128
NUM_FEATURES = 11
SUB = EMBED_DIM // NUM_FEATURES  # 11


def _civil_from_days(z):
    # Howard Hinnant civil_from_days; z = days since 1970-01-01
    z = z + 719468
    era = jnp.where(z >= 0, z, z - 146096) // 146097
    doe = z - era * 146097
    yoe = (doe - doe // 1460 + doe // 36524 - doe // 146096) // 365
    y = yoe + era * 400
    doy = doe - (365 * yoe + yoe // 4 - yoe // 100)
    mp = (5 * doy + 2) // 153
    d = doy - (153 * mp + 2) // 5 + 1
    m = mp + jnp.where(mp < 10, 3, -9)
    y = y + (m <= 2).astype(y.dtype)
    return y, m, d


def _days_from_civil(y, m, d):
    y = y - (m <= 2).astype(y.dtype)
    era = jnp.where(y >= 0, y, y - 399) // 400
    yoe = y - era * 400
    mp = m + jnp.where(m > 2, -3, 9)
    doy = (153 * mp + 2) // 5 + d - 1
    doe = yoe * 365 + yoe // 4 - yoe // 100 + doy
    return era * 146097 + doe - 719468


def _calendar_features(day_indices):
    days = day_indices.astype(jnp.int32) + BASE_DAYS
    y, m, d = _civil_from_days(days)
    day_of_week = (days + 3) % 7  # python weekday(): Mon=0
    jan1 = _days_from_civil(y, jnp.ones_like(m), jnp.ones_like(d))
    day_of_year = (days - jan1 + 1).astype(jnp.float32)[..., None]
    day_of_month = d.astype(jnp.float32)[..., None]
    month = m - 1
    quarter = (m - 1) // 3
    _, m_next, _ = _civil_from_days(days + 1)
    is_month_start = (d == 1)
    is_month_end = (m_next != m)
    is_quarter_start = is_month_start & ((m - 1) % 3 == 0)
    is_quarter_end = is_month_end & (m % 3 == 0)
    is_year_start = is_month_start & (m == 1)
    is_year_end = (m == 12) & (d == 31)
    binary = jnp.stack([is_month_start, is_month_end, is_quarter_start,
                        is_quarter_end, is_year_start, is_year_end], axis=-1).astype(jnp.float32)
    return day_of_week, day_of_month, day_of_year, month, quarter, binary


def setup_inputs(seed: int = 0):
    key = jax.random.key(seed)
    ks = jax.random.split(key, 10)
    B, L = 16384, 20
    day_indices = jax.random.randint(ks[0], (B, L), 0, 1460, dtype=jnp.int32)
    return {
        "day_indices": day_indices,
        "W_dow": jax.random.normal(ks[1], (7, SUB), jnp.float32),
        "W_month": jax.random.normal(ks[2], (12, SUB), jnp.float32),
        "W_quarter": jax.random.normal(ks[3], (4, SUB), jnp.float32),
        "dom_w": jax.random.normal(ks[4], (1, SUB), jnp.float32) * 0.1,
        "dom_b": jax.random.normal(ks[5], (SUB,), jnp.float32) * 0.1,
        "doy_w": jax.random.normal(ks[6], (1, SUB), jnp.float32) * 0.1,
        "doy_b": jax.random.normal(ks[7], (SUB,), jnp.float32) * 0.1,
        "bin_w": jax.random.normal(ks[8], (6, SUB * 6), jnp.float32) * 0.1,
        "bin_b": jax.random.normal(ks[9], (SUB * 6,), jnp.float32) * 0.1,
    }


def reference(day_indices, W_dow, W_month, W_quarter, dom_w, dom_b, doy_w, doy_b, bin_w, bin_b):
    dow, dom, doyf, month, quarter, binary = _calendar_features(day_indices)
    dow_e = jnp.take(W_dow, dow, axis=0)
    month_e = jnp.take(W_month, month, axis=0)
    quarter_e = jnp.take(W_quarter, quarter, axis=0)
    dom_e = dom @ dom_w + dom_b
    doy_e = doyf @ doy_w + doy_b
    bin_e = binary @ bin_w + bin_b
    bin_e = bin_e.reshape(binary.shape[:-1] + (6, SUB)).sum(axis=-2)
    return jnp.concatenate([dow_e, dom_e, doy_e, month_e, quarter_e, bin_e], axis=-1)

if __name__ == "__main__":
    import jax
    _d = setup_inputs()
    print(jax.jit(kernel)(*tuple(_d.values())))

</pallas_src>

<mosaic_0001>
#map = affine_map<(d0, d1) -> (0, 0)>
module attributes {stable_mosaic.version = 14 : i64} {
  func.func @gather_kernel(%arg0: i32, %arg1: i32, %arg2: memref<1472x72xf32, #tpu.memory_space<hbm>>, %arg3: memref<2560x128xi32, #tpu.memory_space<hbm>>, %arg4: memref<327680x72xf32, #tpu.memory_space<hbm>>, %arg5: memref<80x128xi32, #tpu.memory_space<vmem>>, %arg6: memref<2x640x72xf32, #tpu.memory_space<vmem>>, %arg7: memref<!tpu.dma_semaphore, #tpu.memory_space<semaphore_mem>>, %arg8: memref<!tpu.dma_semaphore, #tpu.memory_space<semaphore_mem>>, %arg9: memref<!tpu.dma_semaphore, #tpu.memory_space<semaphore_mem>>) attributes {dimension_semantics = [#tpu.dimension_semantics<core_parallel>, #tpu.dimension_semantics<subcore_parallel>], iteration_bounds = array<i64: 2, 16>, scalar_prefetch = 0 : i64, scratch_operands = 5 : i64, tpu.core_type = #tpu.core_type<sc_vector_subcore>, window_params = [{transform_indices = #map}, {transform_indices = #map}, {transform_indices = #map}]} {
    %mul3A = arith.constant 2 : i32
    %mul3A_0 = arith.muli %arg1, %mul3A : i32
    %add3A = arith.addi %mul3A_0, %arg0 : i32
    %mul3A_1 = arith.constant 80 : i32
    %mul3A_2 = arith.muli %add3A, %mul3A_1 : i32
    "tpu.region"() ({
      %run_scoped3A = tpu.sem_alloc : memref<!tpu.dma_semaphore, #tpu.memory_space<semaphore_mem>>
      %dma_start3A = arith.constant 0 : i32
      %dma_start3A_7 = tpu.memref_slice %arg3[%mul3A_2, %dma_start3A] : memref<2560x128xi32, #tpu.memory_space<hbm>> -> memref<80x128xi32, #tpu.memory_space<hbm>>
      %dma_start3A_8 = arith.constant 0 : i32
      %dma_start3A_9 = tpu.memref_slice %arg3[%mul3A_2, %dma_start3A_8] : memref<2560x128xi32, #tpu.memory_space<hbm>> -> memref<80x128xi32, #tpu.memory_space<hbm>>
      tpu.enqueue_dma source(%dma_start3A_9 : memref<80x128xi32, #tpu.memory_space<hbm>>) target(%arg5 : memref<80x128xi32, #tpu.memory_space<vmem>>) target_semaphore(%run_scoped3A : memref<!tpu.dma_semaphore, #tpu.memory_space<semaphore_mem>>)
      %dma_wait3A = arith.constant 0 : i32
      %dma_wait3A_10 = tpu.memref_slice %arg3[%mul3A_2, %dma_wait3A] : memref<2560x128xi32, #tpu.memory_space<hbm>> -> memref<80x128xi32, #tpu.memory_space<hbm>>
      %dma_wait3A_11 = arith.constant 0 : i32
      %dma_wait3A_12 = tpu.memref_slice %arg3[%mul3A_2, %dma_wait3A_11] : memref<2560x128xi32, #tpu.memory_space<hbm>> -> memref<80x128xi32, #tpu.memory_space<hbm>>
      tpu.wait_dma2 semaphore(%run_scoped3A : memref<!tpu.dma_semaphore, #tpu.memory_space<semaphore_mem>>) src(%dma_wait3A_12 : memref<80x128xi32, #tpu.memory_space<hbm>>) dst(%arg5 : memref<80x128xi32, #tpu.memory_space<vmem>>)
      tpu.yield
    }) : () -> ()
    %scan3A = arith.constant 0 : i32
    %scan3A_3 = arith.constant 8 : i32
    %scan3A_4 = arith.addi %scan3A, %scan3A_3 : i32
    %scan3A_5 = arith.constant 1 : i32
    scf.for %scan3A_7 = %scan3A to %scan3A_4 step %scan3A_5  : i32 {
      %mul3A_8 = arith.constant 10240 : i32
      %mul3A_9 = arith.muli %add3A, %mul3A_8 : i32
      %mul3A_10 = arith.constant 1280 : i32
      %mul3A_11 = arith.muli %scan3A_7, %mul3A_10 : i32
      %add3A_12 = arith.addi %mul3A_9, %mul3A_11 : i32
      %mul3A_13 = arith.constant 10 : i32
      %mul3A_14 = arith.muli %scan3A_7, %mul3A_13 : i32
      %add3A_15 = arith.constant 0 : i32
      %add3A_16 = arith.addi %mul3A_14, %add3A_15 : i32
      %add3A_17 = arith.constant 0 : i32
      %add3A_18 = arith.addi %add3A_16, %add3A_17 : i32
      %dma_start3A = arith.constant 0 : i32
      %dma_start3A_19 = arith.constant 0 : i32
      %dma_start3A_20 = arith.constant 0 : i32
      %dma_start3A_21 = tpu.memref_slice %arg6[%dma_start3A, %dma_start3A_19, %dma_start3A_20] : memref<2x640x72xf32, #tpu.memory_space<vmem>> -> memref<1x128x72xf32, #tpu.memory_space<vmem>>
      %dma_start3A_22 = tpu.memref_squeeze %dma_start3A_21 : memref<1x128x72xf32, #tpu.memory_space<vmem>> -> memref<128x72xf32, #tpu.memory_space<vmem>>
      %dma_start3A_23 = arith.constant 0 : i32
      %dma_start3A_24 = tpu.memref_slice %arg5[%add3A_18, %dma_start3A_23] : memref<80x128xi32, #tpu.memory_space<vmem>> -> memref<1x128xi32, #tpu.memory_space<vmem>>
      %dma_start3A_25 = tpu.memref_squeeze %dma_start3A_24 : memref<1x128xi32, #tpu.memory_space<vmem>> -> memref<128xi32, #tpu.memory_space<vmem>>
      %dma_start3A_26 = arith.constant 0 : i32
      %dma_start3A_27 = arith.constant 0 : i32
      %dma_start3A_28 = tpu.memref_slice %arg2[%dma_start3A_26, %dma_start3A_27] : memref<1472x72xf32, #tpu.memory_space<hbm>> -> memref<1472x72xf32, #tpu.memory_space<hbm>>
      tpu.enqueue_indirect_dma source(%dma_start3A_28 : memref<1472x72xf32, #tpu.memory_space<hbm>>) target(%dma_start3A_22 : memref<128x72xf32, #tpu.memory_space<vmem>>) offsets(%dma_start3A_25 : memref<128xi32, #tpu.memory_space<vmem>>) semaphore(%arg7 : memref<!tpu.dma_semaphore, #tpu.memory_space<semaphore_mem>>)
      %mul3A_29 = arith.constant 10 : i32
      %mul3A_30 = arith.muli %scan3A_7, %mul3A_29 : i32
      %add3A_31 = arith.constant 0 : i32
      %add3A_32 = arith.addi %mul3A_30, %add3A_31 : i32
      %add3A_33 = arith.constant 1 : i32
      %add3A_34 = arith.addi %add3A_32, %add3A_33 : i32
      %dma_start3A_35 = arith.constant 0 : i32
      %dma_start3A_36 = arith.constant 128 : i32
      %dma_start3A_37 = arith.constant 0 : i32
      %dma_start3A_38 = tpu.memref_slice %arg6[%dma_start3A_35, %dma_start3A_36, %dma_start3A_37] : memref<2x640x72xf32, #tpu.memory_space<vmem>> -> memref<1x128x72xf32, #tpu.memory_space<vmem>>
      %dma_start3A_39 = tpu.memref_squeeze %dma_start3A_38 : memref<1x128x72xf32, #tpu.memory_space<vmem>> -> memref<128x72xf32, #tpu.memory_space<vmem>>
      %dma_start3A_40 = arith.constant 0 : i32
      %dma_start3A_41 = tpu.memref_slice %arg5[%add3A_34, %dma_start3A_40] : memref<80x128xi32, #tpu.memory_space<vmem>> -> memref<1x128xi32, #tpu.memory_space<vmem>>
      %dma_start3A_42 = tpu.memref_squeeze %dma_start3A_41 : memref<1x128xi32, #tpu.memory_space<vmem>> -> memref<128xi32, #tpu.memory_space<vmem>>
      %dma_start3A_43 = arith.constant 0 : i32
      %dma_start3A_44 = arith.constant 0 : i32
      %dma_start3A_45 = tpu.memref_slice %arg2[%dma_start3A_43, %dma_start3A_44] : memref<1472x72xf32, #tpu.memory_space<hbm>> -> memref<1472x72xf32, #tpu.memory_space<hbm>>
      tpu.enqueue_indirect_dma source(%dma_start3A_45 : memref<1472x72xf32, #tpu.memory_space<hbm>>) target(%dma_start3A_39 : memref<128x72xf32, #tpu.memory_space<vmem>>) offsets(%dma_start3A_42 : memref<128xi32, #tpu.memory_space<vmem>>) semaphore(%arg7 : memref<!tpu.dma_semaphore, #tpu.memory_space<semaphore_mem>>)
      %mul3A_46 = arith.constant 10 : i32
      %mul3A_47 = arith.muli %scan3A_7, %mul3A_46 : i32
      %add3A_48 = arith.constant 0 : i32
      %add3A_49 = arith.addi %mul3A_47, %add3A_48 : i32
      %add3A_50 = arith.constant 2 : i32
      %add3A_51 = arith.addi %add3A_49, %add3A_50 : i32
      %dma_start3A_52 = arith.constant 0 : i32
      %dma_start3A_53 = arith.constant 256 : i32
      %dma_start3A_54 = arith.constant 0 : i32
      %dma_start3A_55 = tpu.memref_slice %arg6[%dma_start3A_52, %dma_start3A_53, %dma_start3A_54] : memref<2x640x72xf32, #tpu.memory_space<vmem>> -> memref<1x128x72xf32, #tpu.memory_space<vmem>>
      %dma_start3A_56 = tpu.memref_squeeze %dma_start3A_55 : memref<1x128x72xf32, #tpu.memory_space<vmem>> -> memref<128x72xf32, #tpu.memory_space<vmem>>
      %dma_start3A_57 = arith.constant 0 : i32
      %dma_start3A_58 = tpu.memref_slice %arg5[%add3A_51, %dma_start3A_57] : memref<80x128xi32, #tpu.memory_space<vmem>> -> memref<1x128xi32, #tpu.memory_space<vmem>>
      %dma_start3A_59 = tpu.memref_squeeze %dma_start3A_58 : memref<1x128xi32, #tpu.memory_space<vmem>> -> memref<128xi32, #tpu.memory_space<vmem>>
      %dma_start3A_60 = arith.constant 0 : i32
      %dma_start3A_61 = arith.constant 0 : i32
      %dma_start3A_62 = tpu.memref_slice %arg2[%dma_start3A_60, %dma_start3A_61] : memref<1472x72xf32, #tpu.memory_space<hbm>> -> memref<1472x72xf32, #tpu.memory_space<hbm>>
      tpu.enqueue_indirect_dma source(%dma_start3A_62 : memref<1472x72xf32, #tpu.memory_space<hbm>>) target(%dma_start3A_56 : memref<128x72xf32, #tpu.memory_space<vmem>>) offsets(%dma_start3A_59 : memref<128xi32, #tpu.memory_space<vmem>>) semaphore(%arg7 : memref<!tpu.dma_semaphore, #tpu.memory_space<semaphore_mem>>)
      %mul3A_63 = arith.constant 10 : i32
      %mul3A_64 = arith.muli %scan3A_7, %mul3A_63 : i32
      %add3A_65 = arith.constant 0 : i32
      %add3A_66 = arith.addi %mul3A_64, %add3A_65 : i32
      %add3A_67 = arith.constant 3 : i32
      %add3A_68 = arith.addi %add3A_66, %add3A_67 : i32
      %dma_start3A_69 = arith.constant 0 : i32
      %dma_start3A_70 = arith.constant 384 : i32
      %dma_start3A_71 = arith.constant 0 : i32
      %dma_start3A_72 = tpu.memref_slice %arg6[%dma_start3A_69, %dma_start3A_70, %dma_start3A_71] : memref<2x640x72xf32, #tpu.memory_space<vmem>> -> memref<1x128x72xf32, #tpu.memory_space<vmem>>
      %dma_start3A_73 = tpu.memref_squeeze %dma_start3A_72 : memref<1x128x72xf32, #tpu.memory_space<vmem>> -> memref<128x72xf32, #tpu.memory_space<vmem>>
      %dma_start3A_74 = arith.constant 0 : i32
      %dma_start3A_75 = tpu.memref_slice %arg5[%add3A_68, %dma_start3A_74] : memref<80x128xi32, #tpu.memory_space<vmem>> -> memref<1x128xi32, #tpu.memory_space<vmem>>
      %dma_start3A_76 = tpu.memref_squeeze %dma_start3A_75 : memref<1x128xi32, #tpu.memory_space<vmem>> -> memref<128xi32, #tpu.memory_space<vmem>>
      %dma_start3A_77 = arith.constant 0 : i32
      %dma_start3A_78 = arith.constant 0 : i32
      %dma_start3A_79 = tpu.memref_slice %arg2[%dma_start3A_77, %dma_start3A_78] : memref<1472x72xf32, #tpu.memory_space<hbm>> -> memref<1472x72xf32, #tpu.memory_space<hbm>>
      tpu.enqueue_indirect_dma source(%dma_start3A_79 : memref<1472x72xf32, #tpu.memory_space<hbm>>) target(%dma_start3A_73 : memref<128x72xf32, #tpu.memory_space<vmem>>) offsets(%dma_start3A_76 : memref<128xi32, #tpu.memory_space<vmem>>) semaphore(%arg7 : memref<!tpu.dma_semaphore, #tpu.memory_space<semaphore_mem>>)
      %mul3A_80 = arith.constant 10 : i32
      %mul3A_81 = arith.muli %scan3A_7, %mul3A_80 : i32
      %add3A_82 = arith.constant 0 : i32
      %add3A_83 = arith.addi %mul3A_81, %add3A_82 : i32
      %add3A_84 = arith.constant 4 : i32
      %add3A_85 = arith.addi %add3A_83, %add3A_84 : i32
      %dma_start3A_86 = arith.constant 0 : i32
      %dma_start3A_87 = arith.constant 512 : i32
      %dma_start3A_88 = arith.constant 0 : i32
      %dma_start3A_89 = tpu.memref_slice %arg6[%dma_start3A_86, %dma_start3A_87, %dma_start3A_88] : memref<2x640x72xf32, #tpu.memory_space<vmem>> -> memref<1x128x72xf32, #tpu.memory_space<vmem>>
      %dma_start3A_90 = tpu.memref_squeeze %dma_start3A_89 : memref<1x128x72xf32, #tpu.memory_space<vmem>> -> memref<128x72xf32, #tpu.memory_space<vmem>>
      %dma_start3A_91 = arith.constant 0 : i32
      %dma_start3A_92 = tpu.memref_slice %arg5[%add3A_85, %dma_start3A_91] : memref<80x128xi32, #tpu.memory_space<vmem>> -> memref<1x128xi32, #tpu.memory_space<vmem>>
      %dma_start3A_93 = tpu.memref_squeeze %dma_start3A_92 : memref<1x128xi32, #tpu.memory_space<vmem>> -> memref<128xi32, #tpu.memory_space<vmem>>
      %dma_start3A_94 = arith.constant 0 : i32
      %dma_start3A_95 = arith.constant 0 : i32
      %dma_start3A_96 = tpu.memref_slice %arg2[%dma_start3A_94, %dma_start3A_95] : memref<1472x72xf32, #tpu.memory_space<hbm>> -> memref<1472x72xf32, #tpu.memory_space<hbm>>
      tpu.enqueue_indirect_dma source(%dma_start3A_96 : memref<1472x72xf32, #tpu.memory_space<hbm>>) target(%dma_start3A_90 : memref<128x72xf32, #tpu.memory_space<vmem>>) offsets(%dma_start3A_93 : memref<128xi32, #tpu.memory_space<vmem>>) semaphore(%arg7 : memref<!tpu.dma_semaphore, #tpu.memory_space<semaphore_mem>>)
      %mul3A_97 = arith.constant 10 : i32
      %mul3A_98 = arith.muli %scan3A_7, %mul3A_97 : i32
      %add3A_99 = arith.constant 5 : i32
      %add3A_100 = arith.addi %mul3A_98, %add3A_99 : i32
      %add3A_101 = arith.constant 0 : i32
      %add3A_102 = arith.addi %add3A_100, %add3A_101 : i32
      %dma_start3A_103 = arith.constant 1 : i32
      %dma_start3A_104 = arith.constant 0 : i32
      %dma_start3A_105 = arith.constant 0 : i32
      %dma_start3A_106 = tpu.memref_slice %arg6[%dma_start3A_103, %dma_start3A_104, %dma_start3A_105] : memref<2x640x72xf32, #tpu.memory_space<vmem>> -> memref<1x128x72xf32, #tpu.memory_space<vmem>>
      %dma_start3A_107 = tpu.memref_squeeze %dma_start3A_106 : memref<1x128x72xf32, #tpu.memory_space<vmem>> -> memref<128x72xf32, #tpu.memory_space<vmem>>
      %dma_start3A_108 = arith.constant 0 : i32
      %dma_start3A_109 = tpu.memref_slice %arg5[%add3A_102, %dma_start3A_108] : memref<80x128xi32, #tpu.memory_space<vmem>> -> memref<1x128xi32, #tpu.memory_space<vmem>>
      %dma_start3A_110 = tpu.memref_squeeze %dma_start3A_109 : memref<1x128xi32, #tpu.memory_space<vmem>> -> memref<128xi32, #tpu.memory_space<vmem>>
      %dma_start3A_111 = arith.constant 0 : i32
      %dma_start3A_112 = arith.constant 0 : i32
      %dma_start3A_113 = tpu.memref_slice %arg2[%dma_start3A_111, %dma_start3A_112] : memref<1472x72xf32, #tpu.memory_space<hbm>> -> memref<1472x72xf32, #tpu.memory_space<hbm>>
      tpu.enqueue_indirect_dma source(%dma_start3A_113 : memref<1472x72xf32, #tpu.memory_space<hbm>>) target(%dma_start3A_107 : memref<128x72xf32, #tpu.memory_space<vmem>>) offsets(%dma_start3A_110 : memref<128xi32, #tpu.memory_space<vmem>>) semaphore(%arg8 : memref<!tpu.dma_semaphore, #tpu.memory_space<semaphore_mem>>)
      %mul3A_114 = arith.constant 10 : i32
      %mul3A_115 = arith.muli %scan3A_7, %mul3A_114 : i32
      %add3A_116 = arith.constant 5 : i32
      %add3A_117 = arith.addi %mul3A_115, %add3A_116 : i32
      %add3A_118 = arith.constant 1 : i32
      %add3A_119 = arith.addi %add3A_117, %add3A_118 : i32
      %dma_start3A_120 = arith.constant 1 : i32
      %dma_start3A_121 = arith.constant 128 : i32
      %dma_start3A_122 = arith.constant 0 : i32
      %dma_start3A_123 = tpu.memref_slice %arg6[%dma_start3A_120, %dma_start3A_121, %dma_start3A_122] : memref<2x640x72xf32, #tpu.memory_space<vmem>> -> memref<1x128x72xf32, #tpu.memory_space<vmem>>
      %dma_start3A_124 = tpu.memref_squeeze %dma_start3A_123 : memref<1x128x72xf32, #tpu.memory_space<vmem>> -> memref<128x72xf32, #tpu.memory_space<vmem>>
      %dma_start3A_125 = arith.constant 0 : i32
      %dma_start3A_126 = tpu.memref_slice %arg5[%add3A_119, %dma_start3A_125] : memref<80x128xi32, #tpu.memory_space<vmem>> -> memref<1x128xi32, #tpu.memory_space<vmem>>
      %dma_start3A_127 = tpu.memref_squeeze %dma_start3A_126 : memref<1x128xi32, #tpu.memory_space<vmem>> -> memref<128xi32, #tpu.memory_space<vmem>>
      %dma_start3A_128 = arith.constant 0 : i32
      %dma_start3A_129 = arith.constant 0 : i32
      %dma_start3A_130 = tpu.memref_slice %arg2[%dma_start3A_128, %dma_start3A_129] : memref<1472x72xf32, #tpu.memory_space<hbm>> -> memref<1472x72xf32, #tpu.memory_space<hbm>>
      tpu.enqueue_indirect_dma source(%dma_start3A_130 : memref<1472x72xf32, #tpu.memory_space<hbm>>) target(%dma_start3A_124 : memref<128x72xf32, #tpu.memory_space<vmem>>) offsets(%dma_start3A_127 : memref<128xi32, #tpu.memory_space<vmem>>) semaphore(%arg8 : memref<!tpu.dma_semaphore, #tpu.memory_space<semaphore_mem>>)
      %mul3A_131 = arith.constant 10 : i32
      %mul3A_132 = arith.muli %scan3A_7, %mul3A_131 : i32
      %add3A_133 = arith.constant 5 : i32
      %add3A_134 = arith.addi %mul3A_132, %add3A_133 : i32
      %add3A_135 = arith.constant 2 : i32
      %add3A_136 = arith.addi %add3A_134, %add3A_135 : i32
      %dma_start3A_137 = arith.constant 1 : i32
      %dma_start3A_138 = arith.constant 256 : i32
      %dma_start3A_139 = arith.constant 0 : i32
      %dma_start3A_140 = tpu.memref_slice %arg6[%dma_start3A_137, %dma_start3A_138, %dma_start3A_139] : memref<2x640x72xf32, #tpu.memory_space<vmem>> -> memref<1x128x72xf32, #tpu.memory_space<vmem>>
      %dma_start3A_141 = tpu.memref_squeeze %dma_start3A_140 : memref<1x128x72xf32, #tpu.memory_space<vmem>> -> memref<128x72xf32, #tpu.memory_space<vmem>>
      %dma_start3A_142 = arith.constant 0 : i32
      %dma_start3A_143 = tpu.memref_slice %arg5[%add3A_136, %dma_start3A_142] : memref<80x128xi32, #tpu.memory_space<vmem>> -> memref<1x128xi32, #tpu.memory_space<vmem>>
      %dma_start3A_144 = tpu.memref_squeeze %dma_start3A_143 : memref<1x128xi32, #tpu.memory_space<vmem>> -> memref<128xi32, #tpu.memory_space<vmem>>
      %dma_start3A_145 = arith.constant 0 : i32
      %dma_start3A_146 = arith.constant 0 : i32
      %dma_start3A_147 = tpu.memref_slice %arg2[%dma_start3A_145, %dma_start3A_146] : memref<1472x72xf32, #tpu.memory_space<hbm>> -> memref<1472x72xf32, #tpu.memory_space<hbm>>
      tpu.enqueue_indirect_dma source(%dma_start3A_147 : memref<1472x72xf32, #tpu.memory_space<hbm>>) target(%dma_start3A_141 : memref<128x72xf32, #tpu.memory_space<vmem>>) offsets(%dma_start3A_144 : memref<128xi32, #tpu.memory_space<vmem>>) semaphore(%arg8 : memref<!tpu.dma_semaphore, #tpu.memory_space<semaphore_mem>>)
      %mul3A_148 = arith.constant 10 : i32
      %mul3A_149 = arith.muli %scan3A_7, %mul3A_148 : i32
      %add3A_150 = arith.constant 5 : i32
      %add3A_151 = arith.addi %mul3A_149, %add3A_150 : i32
      %add3A_152 = arith.constant 3 : i32
      %add3A_153 = arith.addi %add3A_151, %add3A_152 : i32
      %dma_start3A_154 = arith.constant 1 : i32
      %dma_start3A_155 = arith.constant 384 : i32
      %dma_start3A_156 = arith.constant 0 : i32
      %dma_start3A_157 = tpu.memref_slice %arg6[%dma_start3A_154, %dma_start3A_155, %dma_start3A_156] : memref<2x640x72xf32, #tpu.memory_space<vmem>> -> memref<1x128x72xf32, #tpu.memory_space<vmem>>
      %dma_start3A_158 = tpu.memref_squeeze %dma_start3A_157 : memref<1x128x72xf32, #tpu.memory_space<vmem>> -> memref<128x72xf32, #tpu.memory_space<vmem>>
      %dma_start3A_159 = arith.constant 0 : i32
      %dma_start3A_160 = tpu.memref_slice %arg5[%add3A_153, %dma_start3A_159] : memref<80x128xi32, #tpu.memory_space<vmem>> -> memref<1x128xi32, #tpu.memory_space<vmem>>
      %dma_start3A_161 = tpu.memref_squeeze %dma_start3A_160 : memref<1x128xi32, #tpu.memory_space<vmem>> -> memref<128xi32, #tpu.memory_space<vmem>>
      %dma_start3A_162 = arith.constant 0 : i32
      %dma_start3A_163 = arith.constant 0 : i32
      %dma_start3A_164 = tpu.memref_slice %arg2[%dma_start3A_162, %dma_start3A_163] : memref<1472x72xf32, #tpu.memory_space<hbm>> -> memref<1472x72xf32, #tpu.memory_space<hbm>>
      tpu.enqueue_indirect_dma source(%dma_start3A_164 : memref<1472x72xf32, #tpu.memory_space<hbm>>) target(%dma_start3A_158 : memref<128x72xf32, #tpu.memory_space<vmem>>) offsets(%dma_start3A_161 : memref<128xi32, #tpu.memory_space<vmem>>) semaphore(%arg8 : memref<!tpu.dma_semaphore, #tpu.memory_space<semaphore_mem>>)
      %mul3A_165 = arith.constant 10 : i32
      %mul3A_166 = arith.muli %scan3A_7, %mul3A_165 : i32
      %add3A_167 = arith.constant 5 : i32
      %add3A_168 = arith.addi %mul3A_166, %add3A_167 : i32
      %add3A_169 = arith.constant 4 : i32
      %add3A_170 = arith.addi %add3A_168, %add3A_169 : i32
      %dma_start3A_171 = arith.constant 1 : i32
      %dma_start3A_172 = arith.constant 512 : i32
      %dma_start3A_173 = arith.constant 0 : i32
      %dma_start3A_174 = tpu.memref_slice %arg6[%dma_start3A_171, %dma_start3A_172, %dma_start3A_173] : memref<2x640x72xf32, #tpu.memory_space<vmem>> -> memref<1x128x72xf32, #tpu.memory_space<vmem>>
      %dma_start3A_175 = tpu.memref_squeeze %dma_start3A_174 : memref<1x128x72xf32, #tpu.memory_space<vmem>> -> memref<128x72xf32, #tpu.memory_space<vmem>>
      %dma_start3A_176 = arith.constant 0 : i32
      %dma_start3A_177 = tpu.memref_slice %arg5[%add3A_170, %dma_start3A_176] : memref<80x128xi32, #tpu.memory_space<vmem>> -> memref<1x128xi32, #tpu.memory_space<vmem>>
      %dma_start3A_178 = tpu.memref_squeeze %dma_start3A_177 : memref<1x128xi32, #tpu.memory_space<vmem>> -> memref<128xi32, #tpu.memory_space<vmem>>
      %dma_start3A_179 = arith.constant 0 : i32
      %dma_start3A_180 = arith.constant 0 : i32
      %dma_start3A_181 = tpu.memref_slice %arg2[%dma_start3A_179, %dma_start3A_180] : memref<1472x72xf32, #tpu.memory_space<hbm>> -> memref<1472x72xf32, #tpu.memory_space<hbm>>
      tpu.enqueue_indirect_dma source(%dma_start3A_181 : memref<1472x72xf32, #tpu.memory_space<hbm>>) target(%dma_start3A_175 : memref<128x72xf32, #tpu.memory_space<vmem>>) offsets(%dma_start3A_178 : memref<128xi32, #tpu.memory_space<vmem>>) semaphore(%arg8 : memref<!tpu.dma_semaphore, #tpu.memory_space<semaphore_mem>>)
      %dma_wait3A = arith.constant 0 : i32
      %dma_wait3A_182 = arith.constant 0 : i32
      %dma_wait3A_183 = arith.constant 0 : i32
      %dma_wait3A_184 = tpu.memref_slice %arg6[%dma_wait3A, %dma_wait3A_182, %dma_wait3A_183] : memref<2x640x72xf32, #tpu.memory_space<vmem>> -> memref<1x128x72xf32, #tpu.memory_space<vmem>>
      %dma_wait3A_185 = tpu.memref_squeeze %dma_wait3A_184 : memref<1x128x72xf32, #tpu.memory_space<vmem>> -> memref<128x72xf32, #tpu.memory_space<vmem>>
      %dma_wait3A_186 = arith.constant 0 : i32
      %dma_wait3A_187 = tpu.memref_slice %arg5[%add3A_18, %dma_wait3A_186] : memref<80x128xi32, #tpu.memory_space<vmem>> -> memref<1x128xi32, #tpu.memory_space<vmem>>
      %dma_wait3A_188 = tpu.memref_squeeze %dma_wait3A_187 : memref<1x128xi32, #tpu.memory_space<vmem>> -> memref<128xi32, #tpu.memory_space<vmem>>
      %dma_wait3A_189 = arith.constant 0 : i32
      %dma_wait3A_190 = arith.constant 0 : i32
      %dma_wait3A_191 = tpu.memref_slice %arg2[%dma_wait3A_189, %dma_wait3A_190] : memref<1472x72xf32, #tpu.memory_space<hbm>> -> memref<1472x72xf32, #tpu.memory_space<hbm>>
      tpu.wait_indirect_dma semaphore(%arg7 : memref<!tpu.dma_semaphore, #tpu.memory_space<semaphore_mem>>) src(%dma_wait3A_191 : memref<1472x72xf32, #tpu.memory_space<hbm>>) dst(%dma_wait3A_185 : memref<128x72xf32, #tpu.memory_space<vmem>>)
      %dma_wait3A_192 = arith.constant 0 : i32
      %dma_wait3A_193 = arith.constant 128 : i32
      %dma_wait3A_194 = arith.constant 0 : i32
      %dma_wait3A_195 = tpu.memref_slice %arg6[%dma_wait3A_192, %dma_wait3A_193, %dma_wait3A_194] : memref<2x640x72xf32, #tpu.memory_space<vmem>> -> memref<1x128x72xf32, #tpu.memory_space<vmem>>
      %dma_wait3A_196 = tpu.memref_squeeze %dma_wait3A_195 : memref<1x128x72xf32, #tpu.memory_space<vmem>> -> memref<128x72xf32, #tpu.memory_space<vmem>>
      %dma_wait3A_197 = arith.constant 0 : i32
      %dma_wait3A_198 = tpu.memref_slice %arg5[%add3A_34, %dma_wait3A_197] : memref<80x128xi32, #tpu.memory_space<vmem>> -> memref<1x128xi32, #tpu.memory_space<vmem>>
      %dma_wait3A_199 = tpu.memref_squeeze %dma_wait3A_198 : memref<1x128xi32, #tpu.memory_space<vmem>> -> memref<128xi32, #tpu.memory_space<vmem>>
      %dma_wait3A_200 = arith.constant 0 : i32
      %dma_wait3A_201 = arith.constant 0 : i32
      %dma_wait3A_202 = tpu.memref_slice %arg2[%dma_wait3A_200, %dma_wait3A_201] : memref<1472x72xf32, #tpu.memory_space<hbm>> -> memref<1472x72xf32, #tpu.memory_space<hbm>>
      tpu.wait_indirect_dma semaphore(%arg7 : memref<!tpu.dma_semaphore, #tpu.memory_space<semaphore_mem>>) src(%dma_wait3A_202 : memref<1472x72xf32, #tpu.memory_space<hbm>>) dst(%dma_wait3A_196 : memref<128x72xf32, #tpu.memory_space<vmem>>)
      %dma_wait3A_203 = arith.constant 0 : i32
      %dma_wait3A_204 = arith.constant 256 : i32
      %dma_wait3A_205 = arith.constant 0 : i32
      %dma_wait3A_206 = tpu.memref_slice %arg6[%dma_wait3A_203, %dma_wait3A_204, %dma_wait3A_205] : memref<2x640x72xf32, #tpu.memory_space<vmem>> -> memref<1x128x72xf32, #tpu.memory_space<vmem>>
      %dma_wait3A_207 = tpu.memref_squeeze %dma_wait3A_206 : memref<1x128x72xf32, #tpu.memory_space<vmem>> -> memref<128x72xf32, #tpu.memory_space<vmem>>
      %dma_wait3A_208 = arith.constant 0 : i32
      %dma_wait3A_209 = tpu.memref_slice %arg5[%add3A_51, %dma_wait3A_208] : memref<80x128xi32, #tpu.memory_space<vmem>> -> memref<1x128xi32, #tpu.memory_space<vmem>>
      %dma_wait3A_210 = tpu.memref_squeeze %dma_wait3A_209 : memref<1x128xi32, #tpu.memory_space<vmem>> -> memref<128xi32, #tpu.memory_space<vmem>>
      %dma_wait3A_211 = arith.constant 0 : i32
      %dma_wait3A_212 = arith.constant 0 : i32
      %dma_wait3A_213 = tpu.memref_slice %arg2[%dma_wait3A_211, %dma_wait3A_212] : memref<1472x72xf32, #tpu.memory_space<hbm>> -> memref<1472x72xf32, #tpu.memory_space<hbm>>
      tpu.wait_indirect_dma semaphore(%arg7 : memref<!tpu.dma_semaphore, #tpu.memory_space<semaphore_mem>>) src(%dma_wait3A_213 : memref<1472x72xf32, #tpu.memory_space<hbm>>) dst(%dma_wait3A_207 : memref<128x72xf32, #tpu.memory_space<vmem>>)
      %dma_wait3A_214 = arith.constant 0 : i32
      %dma_wait3A_215 = arith.constant 384 : i32
      %dma_wait3A_216 = arith.constant 0 : i32
      %dma_wait3A_217 = tpu.memref_slice %arg6[%dma_wait3A_214, %dma_wait3A_215, %dma_wait3A_216] : memref<2x640x72xf32, #tpu.memory_space<vmem>> -> memref<1x128x72xf32, #tpu.memory_space<vmem>>
      %dma_wait3A_218 = tpu.memref_squeeze %dma_wait3A_217 : memref<1x128x72xf32, #tpu.memory_space<vmem>> -> memref<128x72xf32, #tpu.memory_space<vmem>>
      %dma_wait3A_219 = arith.constant 0 : i32
      %dma_wait3A_220 = tpu.memref_slice %arg5[%add3A_68, %dma_wait3A_219] : memref<80x128xi32, #tpu.memory_space<vmem>> -> memref<1x128xi32, #tpu.memory_space<vmem>>
      %dma_wait3A_221 = tpu.memref_squeeze %dma_wait3A_220 : memref<1x128xi32, #tpu.memory_space<vmem>> -> memref<128xi32, #tpu.memory_space<vmem>>
      %dma_wait3A_222 = arith.constant 0 : i32
      %dma_wait3A_223 = arith.constant 0 : i32
      %dma_wait3A_224 = tpu.memref_slice %arg2[%dma_wait3A_222, %dma_wait3A_223] : memref<1472x72xf32, #tpu.memory_space<hbm>> -> memref<1472x72xf32, #tpu.memory_space<hbm>>
      tpu.wait_indirect_dma semaphore(%arg7 : memref<!tpu.dma_semaphore, #tpu.memory_space<semaphore_mem>>) src(%dma_wait3A_224 : memref<1472x72xf32, #tpu.memory_space<hbm>>) dst(%dma_wait3A_218 : memref<128x72xf32, #tpu.memory_space<vmem>>)
      %dma_wait3A_225 = arith.constant 0 : i32
      %dma_wait3A_226 = arith.constant 512 : i32
      %dma_wait3A_227 = arith.constant 0 : i32
      %dma_wait3A_228 = tpu.memref_slice %arg6[%dma_wait3A_225, %dma_wait3A_226, %dma_wait3A_227] : memref<2x640x72xf32, #tpu.memory_space<vmem>> -> memref<1x128x72xf32, #tpu.memory_space<vmem>>
      %dma_wait3A_229 = tpu.memref_squeeze %dma_wait3A_228 : memref<1x128x72xf32, #tpu.memory_space<vmem>> -> memref<128x72xf32, #tpu.memory_space<vmem>>
      %dma_wait3A_230 = arith.constant 0 : i32
      %dma_wait3A_231 = tpu.memref_slice %arg5[%add3A_85, %dma_wait3A_230] : memref<80x128xi32, #tpu.memory_space<vmem>> -> memref<1x128xi32, #tpu.memory_space<vmem>>
      %dma_wait3A_232 = tpu.memref_squeeze %dma_wait3A_231 : memref<1x128xi32, #tpu.memory_space<vmem>> -> memref<128xi32, #tpu.memory_space<vmem>>
      %dma_wait3A_233 = arith.constant 0 : i32
      %dma_wait3A_234 = arith.constant 0 : i32
      %dma_wait3A_235 = tpu.memref_slice %arg2[%dma_wait3A_233, %dma_wait3A_234] : memref<1472x72xf32, #tpu.memory_space<hbm>> -> memref<1472x72xf32, #tpu.memory_space<hbm>>
      tpu.wait_indirect_dma semaphore(%arg7 : memref<!tpu.dma_semaphore, #tpu.memory_space<semaphore_mem>>) src(%dma_wait3A_235 : memref<1472x72xf32, #tpu.memory_space<hbm>>) dst(%dma_wait3A_229 : memref<128x72xf32, #tpu.memory_space<vmem>>)
      %add3A_236 = arith.constant 0 : i32
      %add3A_237 = arith.addi %add3A_12, %add3A_236 : i32
      %dma_start3A_238 = arith.constant 0 : i32
      %dma_start3A_239 = arith.constant 0 : i32
      %dma_start3A_240 = arith.constant 0 : i32
      %dma_start3A_241 = tpu.memref_slice %arg6[%dma_start3A_238, %dma_start3A_239, %dma_start3A_240] : memref<2x640x72xf32, #tpu.memory_space<vmem>> -> memref<1x640x72xf32, #tpu.memory_space<vmem>>
      %dma_start3A_242 = tpu.memref_squeeze %dma_start3A_241 : memref<1x640x72xf32, #tpu.memory_space<vmem>> -> memref<640x72xf32, #tpu.memory_space<vmem>>
      %dma_start3A_243 = arith.constant 0 : i32
      %dma_start3A_244 = tpu.memref_slice %arg4[%add3A_237, %dma_start3A_243] : memref<327680x72xf32, #tpu.memory_space<hbm>> -> memref<640x72xf32, #tpu.memory_space<hbm>>
      %dma_start3A_245 = arith.constant 0 : i32
      %dma_start3A_246 = tpu.memref_slice %arg4[%add3A_237, %dma_start3A_245] : memref<327680x72xf32, #tpu.memory_space<hbm>> -> memref<640x72xf32, #tpu.memory_space<hbm>>
      %dma_start3A_247 = arith.constant 0 : i32
      %dma_start3A_248 = arith.constant 0 : i32
      %dma_start3A_249 = tpu.memref_slice %arg6[%dma_start3A_238, %dma_start3A_247, %dma_start3A_248] : memref<2x640x72xf32, #tpu.memory_space<vmem>> -> memref<1x640x72xf32, #tpu.memory_space<vmem>>
      %dma_start3A_250 = tpu.memref_squeeze %dma_start3A_249 : memref<1x640x72xf32, #tpu.memory_space<vmem>> -> memref<640x72xf32, #tpu.memory_space<vmem>>
      tpu.enqueue_dma source(%dma_start3A_250 : memref<640x72xf32, #tpu.memory_space<vmem>>) target(%dma_start3A_246 : memref<640x72xf32, #tpu.memory_space<hbm>>) target_semaphore(%arg9 : memref<!tpu.dma_semaphore, #tpu.memory_space<semaphore_mem>>)
      %dma_wait3A_251 = arith.constant 1 : i32
      %dma_wait3A_252 = arith.constant 0 : i32
      %dma_wait3A_253 = arith.constant 0 : i32
      %dma_wait3A_254 = tpu.memref_slice %arg6[%dma_wait3A_251, %dma_wait3A_252, %dma_wait3A_253] : memref<2x640x72xf32, #tpu.memory_space<vmem>> -> memref<1x128x72xf32, #tpu.memory_space<vmem>>
      %dma_wait3A_255 = tpu.memref_squeeze %dma_wait3A_254 : memref<1x128x72xf32, #tpu.memory_space<vmem>> -> memref<128x72xf32, #tpu.memory_space<vmem>>
      %dma_wait3A_256 = arith.constant 0 : i32
      %dma_wait3A_257 = tpu.memref_slice %arg5[%add3A_102, %dma_wait3A_256] : memref<80x128xi32, #tpu.memory_space<vmem>> -> memref<1x128xi32, #tpu.memory_space<vmem>>
      %dma_wait3A_258 = tpu.memref_squeeze %dma_wait3A_257 : memref<1x128xi32, #tpu.memory_space<vmem>> -> memref<128xi32, #tpu.memory_space<vmem>>
      %dma_wait3A_259 = arith.constant 0 : i32
      %dma_wait3A_260 = arith.constant 0 : i32
      %dma_wait3A_261 = tpu.memref_slice %arg2[%dma_wait3A_259, %dma_wait3A_260] : memref<1472x72xf32, #tpu.memory_space<hbm>> -> memref<1472x72xf32, #tpu.memory_space<hbm>>
      tpu.wait_indirect_dma semaphore(%arg8 : memref<!tpu.dma_semaphore, #tpu.memory_space<semaphore_mem>>) src(%dma_wait3A_261 : memref<1472x72xf32, #tpu.memory_space<hbm>>) dst(%dma_wait3A_255 : memref<128x72xf32, #tpu.memory_space<vmem>>)
      %dma_wait3A_262 = arith.constant 1 : i32
      %dma_wait3A_263 = arith.constant 128 : i32
      %dma_wait3A_264 = arith.constant 0 : i32
      %dma_wait3A_265 = tpu.memref_slice %arg6[%dma_wait3A_262, %dma_wait3A_263, %dma_wait3A_264] : memref<2x640x72xf32, #tpu.memory_space<vmem>> -> memref<1x128x72xf32, #tpu.memory_space<vmem>>
      %dma_wait3A_266 = tpu.memref_squeeze %dma_wait3A_265 : memref<1x128x72xf32, #tpu.memory_space<vmem>> -> memref<128x72xf32, #tpu.memory_space<vmem>>
      %dma_wait3A_267 = arith.constant 0 : i32
      %dma_wait3A_268 = tpu.memref_slice %arg5[%add3A_119, %dma_wait3A_267] : memref<80x128xi32, #tpu.memory_space<vmem>> -> memref<1x128xi32, #tpu.memory_space<vmem>>
      %dma_wait3A_269 = tpu.memref_squeeze %dma_wait3A_268 : memref<1x128xi32, #tpu.memory_space<vmem>> -> memref<128xi32, #tpu.memory_space<vmem>>
      %dma_wait3A_270 = arith.constant 0 : i32
      %dma_wait3A_271 = arith.constant 0 : i32
      %dma_wait3A_272 = tpu.memref_slice %arg2[%dma_wait3A_270, %dma_wait3A_271] : memref<1472x72xf32, #tpu.memory_space<hbm>> -> memref<1472x72xf32, #tpu.memory_space<hbm>>
      tpu.wait_indirect_dma semaphore(%arg8 : memref<!tpu.dma_semaphore, #tpu.memory_space<semaphore_mem>>) src(%dma_wait3A_272 : memref<1472x72xf32, #tpu.memory_space<hbm>>) dst(%dma_wait3A_266 : memref<128x72xf32, #tpu.memory_space<vmem>>)
      %dma_wait3A_273 = arith.constant 1 : i32
      %dma_wait3A_274 = arith.constant 256 : i32
      %dma_wait3A_275 = arith.constant 0 : i32
      %dma_wait3A_276 = tpu.memref_slice %arg6[%dma_wait3A_273, %dma_wait3A_274, %dma_wait3A_275] : memref<2x640x72xf32, #tpu.memory_space<vmem>> -> memref<1x128x72xf32, #tpu.memory_space<vmem>>
      %dma_wait3A_277 = tpu.memref_squeeze %dma_wait3A_276 : memref<1x128x72xf32, #tpu.memory_space<vmem>> -> memref<128x72xf32, #tpu.memory_space<vmem>>
      %dma_wait3A_278 = arith.constant 0 : i32
      %dma_wait3A_279 = tpu.memref_slice %arg5[%add3A_136, %dma_wait3A_278] : memref<80x128xi32, #tpu.memory_space<vmem>> -> memref<1x128xi32, #tpu.memory_space<vmem>>
      %dma_wait3A_280 = tpu.memref_squeeze %dma_wait3A_279 : memref<1x128xi32, #tpu.memory_space<vmem>> -> memref<128xi32, #tpu.memory_space<vmem>>
      %dma_wait3A_281 = arith.constant 0 : i32
      %dma_wait3A_282 = arith.constant 0 : i32
      %dma_wait3A_283 = tpu.memref_slice %arg2[%dma_wait3A_281, %dma_wait3A_282] : memref<1472x72xf32, #tpu.memory_space<hbm>> -> memref<1472x72xf32, #tpu.memory_space<hbm>>
      tpu.wait_indirect_dma semaphore(%arg8 : memref<!tpu.dma_semaphore, #tpu.memory_space<semaphore_mem>>) src(%dma_wait3A_283 : memref<1472x72xf32, #tpu.memory_space<hbm>>) dst(%dma_wait3A_277 : memref<128x72xf32, #tpu.memory_space<vmem>>)
      %dma_wait3A_284 = arith.constant 1 : i32
      %dma_wait3A_285 = arith.constant 384 : i32
      %dma_wait3A_286 = arith.constant 0 : i32
      %dma_wait3A_287 = tpu.memref_slice %arg6[%dma_wait3A_284, %dma_wait3A_285, %dma_wait3A_286] : memref<2x640x72xf32, #tpu.memory_space<vmem>> -> memref<1x128x72xf32, #tpu.memory_space<vmem>>
      %dma_wait3A_288 = tpu.memref_squeeze %dma_wait3A_287 : memref<1x128x72xf32, #tpu.memory_space<vmem>> -> memref<128x72xf32, #tpu.memory_space<vmem>>
      %dma_wait3A_289 = arith.constant 0 : i32
      %dma_wait3A_290 = tpu.memref_slice %arg5[%add3A_153, %dma_wait3A_289] : memref<80x128xi32, #tpu.memory_space<vmem>> -> memref<1x128xi32, #tpu.memory_space<vmem>>
      %dma_wait3A_291 = tpu.memref_squeeze %dma_wait3A_290 : memref<1x128xi32, #tpu.memory_space<vmem>> -> memref<128xi32, #tpu.memory_space<vmem>>
      %dma_wait3A_292 = arith.constant 0 : i32
      %dma_wait3A_293 = arith.constant 0 : i32
      %dma_wait3A_294 = tpu.memref_slice %arg2[%dma_wait3A_292, %dma_wait3A_293] : memref<1472x72xf32, #tpu.memory_space<hbm>> -> memref<1472x72xf32, #tpu.memory_space<hbm>>
      tpu.wait_indirect_dma semaphore(%arg8 : memref<!tpu.dma_semaphore, #tpu.memory_space<semaphore_mem>>) src(%dma_wait3A_294 : memref<1472x72xf32, #tpu.memory_space<hbm>>) dst(%dma_wait3A_288 : memref<128x72xf32, #tpu.memory_space<vmem>>)
      %dma_wait3A_295 = arith.constant 1 : i32
      %dma_wait3A_296 = arith.constant 512 : i32
      %dma_wait3A_297 = arith.constant 0 : i32
      %dma_wait3A_298 = tpu.memref_slice %arg6[%dma_wait3A_295, %dma_wait3A_296, %dma_wait3A_297] : memref<2x640x72xf32, #tpu.memory_space<vmem>> -> memref<1x128x72xf32, #tpu.memory_space<vmem>>
      %dma_wait3A_299 = tpu.memref_squeeze %dma_wait3A_298 : memref<1x128x72xf32, #tpu.memory_space<vmem>> -> memref<128x72xf32, #tpu.memory_space<vmem>>
      %dma_wait3A_300 = arith.constant 0 : i32
      %dma_wait3A_301 = tpu.memref_slice %arg5[%add3A_170, %dma_wait3A_300] : memref<80x128xi32, #tpu.memory_space<vmem>> -> memref<1x128xi32, #tpu.memory_space<vmem>>
      %dma_wait3A_302 = tpu.memref_squeeze %dma_wait3A_301 : memref<1x128xi32, #tpu.memory_space<vmem>> -> memref<128xi32, #tpu.memory_space<vmem>>
      %dma_wait3A_303 = arith.constant 0 : i32
      %dma_wait3A_304 = arith.constant 0 : i32
      %dma_wait3A_305 = tpu.memref_slice %arg2[%dma_wait3A_303, %dma_wait3A_304] : memref<1472x72xf32, #tpu.memory_space<hbm>> -> memref<1472x72xf32, #tpu.memory_space<hbm>>
      tpu.wait_indirect_dma semaphore(%arg8 : memref<!tpu.dma_semaphore, #tpu.memory_space<semaphore_mem>>) src(%dma_wait3A_305 : memref<1472x72xf32, #tpu.memory_space<hbm>>) dst(%dma_wait3A_299 : memref<128x72xf32, #tpu.memory_space<vmem>>)
      %add3A_306 = arith.constant 640 : i32
      %add3A_307 = arith.addi %add3A_12, %add3A_306 : i32
      %dma_start3A_308 = arith.constant 1 : i32
      %dma_start3A_309 = arith.constant 0 : i32
      %dma_start3A_310 = arith.constant 0 : i32
      %dma_start3A_311 = tpu.memref_slice %arg6[%dma_start3A_308, %dma_start3A_309, %dma_start3A_310] : memref<2x640x72xf32, #tpu.memory_space<vmem>> -> memref<1x640x72xf32, #tpu.memory_space<vmem>>
      %dma_start3A_312 = tpu.memref_squeeze %dma_start3A_311 : memref<1x640x72xf32, #tpu.memory_space<vmem>> -> memref<640x72xf32, #tpu.memory_space<vmem>>
      %dma_start3A_313 = arith.constant 0 : i32
      %dma_start3A_314 = tpu.memref_slice %arg4[%add3A_307, %dma_start3A_313] : memref<327680x72xf32, #tpu.memory_space<hbm>> -> memref<640x72xf32, #tpu.memory_space<hbm>>
      %dma_start3A_315 = arith.constant 0 : i32
      %dma_start3A_316 = tpu.memref_slice %arg4[%add3A_307, %dma_start3A_315] : memref<327680x72xf32, #tpu.memory_space<hbm>> -> memref<640x72xf32, #tpu.memory_space<hbm>>
      %dma_start3A_317 = arith.constant 0 : i32
      %dma_start3A_318 = arith.constant 0 : i32
      %dma_start3A_319 = tpu.memref_slice %arg6[%dma_start3A_308, %dma_start3A_317, %dma_start3A_318] : memref<2x640x72xf32, #tpu.memory_space<vmem>> -> memref<1x640x72xf32, #tpu.memory_space<vmem>>
      %dma_start3A_320 = tpu.memref_squeeze %dma_start3A_319 : memref<1x640x72xf32, #tpu.memory_space<vmem>> -> memref<640x72xf32, #tpu.memory_space<vmem>>
      tpu.enqueue_dma source(%dma_start3A_320 : memref<640x72xf32, #tpu.memory_space<vmem>>) target(%dma_start3A_316 : memref<640x72xf32, #tpu.memory_space<hbm>>) target_semaphore(%arg9 : memref<!tpu.dma_semaphore, #tpu.memory_space<semaphore_mem>>)
      %dma_wait3A_321 = arith.constant 0 : i32
      %dma_wait3A_322 = arith.constant 0 : i32
      %dma_wait3A_323 = arith.constant 0 : i32
      %dma_wait3A_324 = tpu.memref_slice %arg6[%dma_wait3A_321, %dma_wait3A_322, %dma_wait3A_323] : memref<2x640x72xf32, #tpu.memory_space<vmem>> -> memref<1x640x72xf32, #tpu.memory_space<vmem>>
      %dma_wait3A_325 = tpu.memref_squeeze %dma_wait3A_324 : memref<1x640x72xf32, #tpu.memory_space<vmem>> -> memref<640x72xf32, #tpu.memory_space<vmem>>
      %dma_wait3A_326 = arith.constant 0 : i32
      %dma_wait3A_327 = tpu.memref_slice %arg4[%add3A_237, %dma_wait3A_326] : memref<327680x72xf32, #tpu.memory_space<hbm>> -> memref<640x72xf32, #tpu.memory_space<hbm>>
      %dma_wait3A_328 = arith.constant 0 : i32
      %dma_wait3A_329 = tpu.memref_slice %arg4[%add3A_237, %dma_wait3A_328] : memref<327680x72xf32, #tpu.memory_space<hbm>> -> memref<640x72xf32, #tpu.memory_space<hbm>>
      %dma_wait3A_330 = arith.constant 0 : i32
      %dma_wait3A_331 = arith.constant 0 : i32
      %dma_wait3A_332 = tpu.memref_slice %arg6[%dma_wait3A_321, %dma_wait3A_330, %dma_wait3A_331] : memref<2x640x72xf32, #tpu.memory_space<vmem>> -> memref<1x640x72xf32, #tpu.memory_space<vmem>>
      %dma_wait3A_333 = tpu.memref_squeeze %dma_wait3A_332 : memref<1x640x72xf32, #tpu.memory_space<vmem>> -> memref<640x72xf32, #tpu.memory_space<vmem>>
      tpu.wait_dma2 semaphore(%arg9 : memref<!tpu.dma_semaphore, #tpu.memory_space<semaphore_mem>>) src(%dma_wait3A_333 : memref<640x72xf32, #tpu.memory_space<vmem>>) dst(%dma_wait3A_329 : memref<640x72xf32, #tpu.memory_space<hbm>>)
      %dma_wait3A_334 = arith.constant 1 : i32
      %dma_wait3A_335 = arith.constant 0 : i32
      %dma_wait3A_336 = arith.constant 0 : i32
      %dma_wait3A_337 = tpu.memref_slice %arg6[%dma_wait3A_334, %dma_wait3A_335, %dma_wait3A_336] : memref<2x640x72xf32, #tpu.memory_space<vmem>> -> memref<1x640x72xf32, #tpu.memory_space<vmem>>
      %dma_wait3A_338 = tpu.memref_squeeze %dma_wait3A_337 : memref<1x640x72xf32, #tpu.memory_space<vmem>> -> memref<640x72xf32, #tpu.memory_space<vmem>>
      %dma_wait3A_339 = arith.constant 0 : i32
      %dma_wait3A_340 = tpu.memref_slice %arg4[%add3A_307, %dma_wait3A_339] : memref<327680x72xf32, #tpu.memory_space<hbm>> -> memref<640x72xf32, #tpu.memory_space<hbm>>
      %dma_wait3A_341 = arith.constant 0 : i32
      %dma_wait3A_342 = tpu.memref_slice %arg4[%add3A_307, %dma_wait3A_341] : memref<327680x72xf32, #tpu.memory_space<hbm>> -> memref<640x72xf32, #tpu.memory_space<hbm>>
      %dma_wait3A_343 = arith.constant 0 : i32
      %dma_wait3A_344 = arith.constant 0 : i32
      %dma_wait3A_345 = tpu.memref_slice %arg6[%dma_wait3A_334, %dma_wait3A_343, %dma_wait3A_344] : memref<2x640x72xf32, #tpu.memory_space<vmem>> -> memref<1x640x72xf32, #tpu.memory_space<vmem>>
      %dma_wait3A_346 = tpu.memref_squeeze %dma_wait3A_345 : memref<1x640x72xf32, #tpu.memory_space<vmem>> -> memref<640x72xf32, #tpu.memory_space<vmem>>
      tpu.wait_dma2 semaphore(%arg9 : memref<!tpu.dma_semaphore, #tpu.memory_space<semaphore_mem>>) src(%dma_wait3A_346 : memref<640x72xf32, #tpu.memory_space<vmem>>) dst(%dma_wait3A_342 : memref<640x72xf32, #tpu.memory_space<hbm>>)
    }
    %scan3A_6 = arith.constant 8 : i32
    return
  }
}

module attributes {stable_mosaic.version = 14 : i64} {
  func.func @_table_body(%arg0: memref<7x11xf32, #tpu.memory_space<vmem>>, %arg1: memref<12x11xf32, #tpu.memory_space<vmem>>, %arg2: memref<4x11xf32, #tpu.memory_space<vmem>>, %arg3: memref<1x11xf32, #tpu.memory_space<vmem>>, %arg4: memref<1x11xf32, #tpu.memory_space<vmem>>, %arg5: memref<1x11xf32, #tpu.memory_space<vmem>>, %arg6: memref<1x11xf32, #tpu.memory_space<vmem>>, %arg7: memref<6x66xf32, #tpu.memory_space<vmem>>, %arg8: memref<1x66xf32, #tpu.memory_space<vmem>>, %arg9: memref<1472x72xf32, #tpu.memory_space<vmem>>) attributes {dimension_semantics = [], scalar_prefetch = 0 : i64, scratch_operands = 0 : i64, tpu.core_type = #tpu.core_type<tc>} {
    %iota3A = tpu.iota {dimensions = array<i32: 0>} : vector<1472x1xi32>
    %add3A = arith.constant 18628 : i32
    %add3A_0 = vector.broadcast %add3A : i32 to vector<1472x1xi32>
    %add3A_1 = arith.addi %iota3A, %add3A_0 : vector<1472x1xi32>
    %add3A_2 = arith.constant 719468 : i32
    %add3A_3 = vector.broadcast %add3A_2 : i32 to vector<1472x1xi32>
    %add3A_4 = arith.addi %add3A_1, %add3A_3 : vector<1472x1xi32>
    %jit3A = arith.constant 146097 : i32
    %div3A = vector.broadcast %jit3A : i32 to vector<1472x1xi32>
    %div3A_5 = arith.divsi %add3A_4, %div3A : vector<1472x1xi32>
    %sign3A = arith.constant 0 : i32
    %sign3A_6 = vector.broadcast %sign3A : i32 to vector<1472x1xi32>
    %sign3A_7 = arith.cmpi sgt, %add3A_4, %sign3A_6 : vector<1472x1xi32>
    %sign3A_8 = arith.extui %sign3A_7 : vector<1472x1xi1> to vector<1472x1xi32>
    %sign3A_9 = arith.constant 0 : i32
    %sign3A_10 = vector.broadcast %sign3A_9 : i32 to vector<1472x1xi32>
    %sign3A_11 = arith.cmpi slt, %add3A_4, %sign3A_10 : vector<1472x1xi32>
    %sign3A_12 = arith.extui %sign3A_11 : vector<1472x1xi1> to vector<1472x1xi32>
    %sign3A_13 = arith.subi %sign3A_8, %sign3A_12 : vector<1472x1xi32>
    %sign3A_14 = arith.constant 0 : i32
    %sign3A_15 = arith.cmpi sgt, %jit3A, %sign3A_14 : i32
    %sign3A_16 = arith.extui %sign3A_15 : i1 to i32
    %sign3A_17 = arith.constant 0 : i32
    %sign3A_18 = arith.cmpi slt, %jit3A, %sign3A_17 : i32
    %sign3A_19 = arith.extui %sign3A_18 : i1 to i32
    %sign3A_20 = arith.subi %sign3A_16, %sign3A_19 : i32
    %ne3A = vector.broadcast %sign3A_20 : i32 to vector<1472x1xi32>
    %ne3A_21 = arith.cmpi ne, %sign3A_13, %ne3A : vector<1472x1xi32>
    %rem3A = vector.broadcast %jit3A : i32 to vector<1472x1xi32>
    %rem3A_22 = arith.remsi %add3A_4, %rem3A : vector<1472x1xi32>
    %ne3A_23 = arith.constant 0 : i32
    %ne3A_24 = vector.broadcast %ne3A_23 : i32 to vector<1472x1xi32>
    %ne3A_25 = arith.cmpi ne, %rem3A_22, %ne3A_24 : vector<1472x1xi32>
    %and3A = arith.andi %ne3A_21, %ne3A_25 : vector<1472x1xi1>
    %sub3A = arith.constant 1 : i32
    %sub3A_26 = vector.broadcast %sub3A : i32 to vector<1472x1xi32>
    %sub3A_27 = arith.subi %div3A_5, %sub3A_26 : vector<1472x1xi32>
    %select_n3A = arith.select %and3A, %sub3A_27, %div3A_5 : vector<1472x1xi1>, vector<1472x1xi32>
    %mul3A = arith.constant 146097 : i32
    %mul3A_28 = vector.broadcast %mul3A : i32 to vector<1472x1xi32>
    %mul3A_29 = arith.muli %select_n3A, %mul3A_28 : vector<1472x1xi32>
    %sub3A_30 = arith.subi %add3A_4, %mul3A_29 : vector<1472x1xi32>
    %jit3A_31 = arith.constant 1460 : i32
    %div3A_32 = vector.broadcast %jit3A_31 : i32 to vector<1472x1xi32>
    %div3A_33 = arith.divsi %sub3A_30, %div3A_32 : vector<1472x1xi32>
    %sign3A_34 = arith.constant 0 : i32
    %sign3A_35 = vector.broadcast %sign3A_34 : i32 to vector<1472x1xi32>
    %sign3A_36 = arith.cmpi sgt, %sub3A_30, %sign3A_35 : vector<1472x1xi32>
    %sign3A_37 = arith.extui %sign3A_36 : vector<1472x1xi1> to vector<1472x1xi32>
    %sign3A_38 = arith.constant 0 : i32
    %sign3A_39 = vector.broadcast %sign3A_38 : i32 to vector<1472x1xi32>
    %sign3A_40 = arith.cmpi slt, %sub3A_30, %sign3A_39 : vector<1472x1xi32>
    %sign3A_41 = arith.extui %sign3A_40 : vector<1472x1xi1> to vector<1472x1xi32>
    %sign3A_42 = arith.subi %sign3A_37, %sign3A_41 : vector<1472x1xi32>
    %sign3A_43 = arith.constant 0 : i32
    %sign3A_44 = arith.cmpi sgt, %jit3A_31, %sign3A_43 : i32
    %sign3A_45 = arith.extui %sign3A_44 : i1 to i32
    %sign3A_46 = arith.constant 0 : i32
    %sign3A_47 = arith.cmpi slt, %jit3A_31, %sign3A_46 : i32
    %sign3A_48 = arith.extui %sign3A_47 : i1 to i32
    %sign3A_49 = arith.subi %sign3A_45, %sign3A_48 : i32
    %ne3A_50 = vector.broadcast %sign3A_49 : i32 to vector<1472x1xi32>
    %ne3A_51 = arith.cmpi ne, %sign3A_42, %ne3A_50 : vector<1472x1xi32>
    %rem3A_52 = vector.broadcast %jit3A_31 : i32 to vector<1472x1xi32>
    %rem3A_53 = arith.remsi %sub3A_30, %rem3A_52 : vector<1472x1xi32>
    %ne3A_54 = arith.constant 0 : i32
    %ne3A_55 = vector.broadcast %ne3A_54 : i32 to vector<1472x1xi32>
    %ne3A_56 = arith.cmpi ne, %rem3A_53, %ne3A_55 : vector<1472x1xi32>
    %and3A_57 = arith.andi %ne3A_51, %ne3A_56 : vector<1472x1xi1>
    %sub3A_58 = arith.constant 1 : i32
    %sub3A_59 = vector.broadcast %sub3A_58 : i32 to vector<1472x1xi32>
    %sub3A_60 = arith.subi %div3A_33, %sub3A_59 : vector<1472x1xi32>
    %select_n3A_61 = arith.select %and3A_57, %sub3A_60, %div3A_33 : vector<1472x1xi1>, vector<1472x1xi32>
    %sub3A_62 = arith.subi %sub3A_30, %select_n3A_61 : vector<1472x1xi32>
    %jit3A_63 = arith.constant 36524 : i32
    %div3A_64 = vector.broadcast %jit3A_63 : i32 to vector<1472x1xi32>
    %div3A_65 = arith.divsi %sub3A_30, %div3A_64 : vector<1472x1xi32>
    %sign3A_66 = arith.constant 0 : i32
    %sign3A_67 = vector.broadcast %sign3A_66 : i32 to vector<1472x1xi32>
    %sign3A_68 = arith.cmpi sgt, %sub3A_30, %sign3A_67 : vector<1472x1xi32>
    %sign3A_69 = arith.extui %sign3A_68 : vector<1472x1xi1> to vector<1472x1xi32>
    %sign3A_70 = arith.constant 0 : i32
    %sign3A_71 = vector.broadcast %sign3A_70 : i32 to vector<1472x1xi32>
    %sign3A_72 = arith.cmpi slt, %sub3A_30, %sign3A_71 : vector<1472x1xi32>
    %sign3A_73 = arith.extui %sign3A_72 : vector<1472x1xi1> to vector<1472x1xi32>
    %sign3A_74 = arith.subi %sign3A_69, %sign3A_73 : vector<1472x1xi32>
    %sign3A_75 = arith.constant 0 : i32
    %sign3A_76 = arith.cmpi sgt, %jit3A_63, %sign3A_75 : i32
    %sign3A_77 = arith.extui %sign3A_76 : i1 to i32
    %sign3A_78 = arith.constant 0 : i32
    %sign3A_79 = arith.cmpi slt, %jit3A_63, %sign3A_78 : i32
    %sign3A_80 = arith.extui %sign3A_79 : i1 to i32
    %sign3A_81 = arith.subi %sign3A_77, %sign3A_80 : i32
    %ne3A_82 = vector.broadcast %sign3A_81 : i32 to vector<1472x1xi32>
    %ne3A_83 = arith.cmpi ne, %sign3A_74, %ne3A_82 : vector<1472x1xi32>
    %rem3A_84 = vector.broadcast %jit3A_63 : i32 to vector<1472x1xi32>
    %rem3A_85 = arith.remsi %sub3A_30, %rem3A_84 : vector<1472x1xi32>
    %ne3A_86 = arith.constant 0 : i32
    %ne3A_87 = vector.broadcast %ne3A_86 : i32 to vector<1472x1xi32>
    %ne3A_88 = arith.cmpi ne, %rem3A_85, %ne3A_87 : vector<1472x1xi32>
    %and3A_89 = arith.andi %ne3A_83, %ne3A_88 : vector<1472x1xi1>
    %sub3A_90 = arith.constant 1 : i32
    %sub3A_91 = vector.broadcast %sub3A_90 : i32 to vector<1472x1xi32>
    %sub3A_92 = arith.subi %div3A_65, %sub3A_91 : vector<1472x1xi32>
    %select_n3A_93 = arith.select %and3A_89, %sub3A_92, %div3A_65 : vector<1472x1xi1>, vector<1472x1xi32>
    %add3A_94 = arith.addi %sub3A_62, %select_n3A_93 : vector<1472x1xi32>
    %jit3A_95 = arith.constant 146096 : i32
    %div3A_96 = vector.broadcast %jit3A_95 : i32 to vector<1472x1xi32>
    %div3A_97 = arith.divsi %sub3A_30, %div3A_96 : vector<1472x1xi32>
    %sign3A_98 = arith.constant 0 : i32
    %sign3A_99 = vector.broadcast %sign3A_98 : i32 to vector<1472x1xi32>
    %sign3A_100 = arith.cmpi sgt, %sub3A_30, %sign3A_99 : vector<1472x1xi32>
    %sign3A_101 = arith.extui %sign3A_100 : vector<1472x1xi1> to vector<1472x1xi32>
    %sign3A_102 = arith.constant 0 : i32
    %sign3A_103 = vector.broadcast %sign3A_102 : i32 to vector<1472x1xi32>
    %sign3A_104 = arith.cmpi slt, %sub3A_30, %sign3A_103 : vector<1472x1xi32>
    %sign3A_105 = arith.extui %sign3A_104 : vector<1472x1xi1> to vector<1472x1xi32>
    %sign3A_106 = arith.subi %sign3A_101, %sign3A_105 : vector<1472x1xi32>
    %sign3A_107 = arith.constant 0 : i32
    %sign3A_108 = arith.cmpi sgt, %jit3A_95, %sign3A_107 : i32
    %sign3A_109 = arith.extui %sign3A_108 : i1 to i32
    %sign3A_110 = arith.constant 0 : i32
    %sign3A_111 = arith.cmpi slt, %jit3A_95, %sign3A_110 : i32
    %sign3A_112 = arith.extui %sign3A_111 : i1 to i32
    %sign3A_113 = arith.subi %sign3A_109, %sign3A_112 : i32
    %ne3A_114 = vector.broadcast %sign3A_113 : i32 to vector<1472x1xi32>
    %ne3A_115 = arith.cmpi ne, %sign3A_106, %ne3A_114 : vector<1472x1xi32>
    %rem3A_116 = vector.broadcast %jit3A_95 : i32 to vector<1472x1xi32>
    %rem3A_117 = arith.remsi %sub3A_30, %rem3A_116 : vector<1472x1xi32>
    %ne3A_118 = arith.constant 0 : i32
    %ne3A_119 = vector.broadcast %ne3A_118 : i32 to vector<1472x1xi32>
    %ne3A_120 = arith.cmpi ne, %rem3A_117, %ne3A_119 : vector<1472x1xi32>
    %and3A_121 = arith.andi %ne3A_115, %ne3A_120 : vector<1472x1xi1>
    %sub3A_122 = arith.constant 1 : i32
    %sub3A_123 = vector.broadcast %sub3A_122 : i32 to vector<1472x1xi32>
    %sub3A_124 = arith.subi %div3A_97, %sub3A_123 : vector<1472x1xi32>
    %select_n3A_125 = arith.select %and3A_121, %sub3A_124, %div3A_97 : vector<1472x1xi1>, vector<1472x1xi32>
    %sub3A_126 = arith.subi %add3A_94, %select_n3A_125 : vector<1472x1xi32>
    %jit3A_127 = arith.constant 365 : i32
    %div3A_128 = vector.broadcast %jit3A_127 : i32 to vector<1472x1xi32>
    %div3A_129 = arith.divsi %sub3A_126, %div3A_128 : vector<1472x1xi32>
    %sign3A_130 = arith.constant 0 : i32
    %sign3A_131 = vector.broadcast %sign3A_130 : i32 to vector<1472x1xi32>
    %sign3A_132 = arith.cmpi sgt, %sub3A_126, %sign3A_131 : vector<1472x1xi32>
    %sign3A_133 = arith.extui %sign3A_132 : vector<1472x1xi1> to vector<1472x1xi32>
    %sign3A_134 = arith.constant 0 : i32
    %sign3A_135 = vector.broadcast %sign3A_134 : i32 to vector<1472x1xi32>
    %sign3A_136 = arith.cmpi slt, %sub3A_126, %sign3A_135 : vector<1472x1xi32>
    %sign3A_137 = arith.extui %sign3A_136 : vector<1472x1xi1> to vector<1472x1xi32>
    %sign3A_138 = arith.subi %sign3A_133, %sign3A_137 : vector<1472x1xi32>
    %sign3A_139 = arith.constant 0 : i32
    %sign3A_140 = arith.cmpi sgt, %jit3A_127, %sign3A_139 : i32
    %sign3A_141 = arith.extui %sign3A_140 : i1 to i32
    %sign3A_142 = arith.constant 0 : i32
    %sign3A_143 = arith.cmpi slt, %jit3A_127, %sign3A_142 : i32
    %sign3A_144 = arith.extui %sign3A_143 : i1 to i32
    %sign3A_145 = arith.subi %sign3A_141, %sign3A_144 : i32
    %ne3A_146 = vector.broadcast %sign3A_145 : i32 to vector<1472x1xi32>
    %ne3A_147 = arith.cmpi ne, %sign3A_138, %ne3A_146 : vector<1472x1xi32>
    %rem3A_148 = vector.broadcast %jit3A_127 : i32 to vector<1472x1xi32>
    %rem3A_149 = arith.remsi %sub3A_126, %rem3A_148 : vector<1472x1xi32>
    %ne3A_150 = arith.constant 0 : i32
    %ne3A_151 = vector.broadcast %ne3A_150 : i32 to vector<1472x1xi32>
    %ne3A_152 = arith.cmpi ne, %rem3A_149, %ne3A_151 : vector<1472x1xi32>
    %and3A_153 = arith.andi %ne3A_147, %ne3A_152 : vector<1472x1xi1>
    %sub3A_154 = arith.constant 1 : i32
    %sub3A_155 = vector.broadcast %sub3A_154 : i32 to vector<1472x1xi32>
    %sub3A_156 = arith.subi %div3A_129, %sub3A_155 : vector<1472x1xi32>
    %select_n3A_157 = arith.select %and3A_153, %sub3A_156, %div3A_129 : vector<1472x1xi1>, vector<1472x1xi32>
    %mul3A_158 = arith.constant 400 : i32
    %mul3A_159 = vector.broadcast %mul3A_158 : i32 to vector<1472x1xi32>
    %mul3A_160 = arith.muli %select_n3A, %mul3A_159 : vector<1472x1xi32>
    %add3A_161 = arith.addi %select_n3A_157, %mul3A_160 : vector<1472x1xi32>
    %mul3A_162 = arith.constant 365 : i32
    %mul3A_163 = vector.broadcast %mul3A_162 : i32 to vector<1472x1xi32>
    %mul3A_164 = arith.muli %mul3A_163, %select_n3A_157 : vector<1472x1xi32>
    %jit3A_165 = arith.constant 4 : i32
    %div3A_166 = vector.broadcast %jit3A_165 : i32 to vector<1472x1xi32>
    %div3A_167 = arith.divsi %select_n3A_157, %div3A_166 : vector<1472x1xi32>
    %sign3A_168 = arith.constant 0 : i32
    %sign3A_169 = vector.broadcast %sign3A_168 : i32 to vector<1472x1xi32>
    %sign3A_170 = arith.cmpi sgt, %select_n3A_157, %sign3A_169 : vector<1472x1xi32>
    %sign3A_171 = arith.extui %sign3A_170 : vector<1472x1xi1> to vector<1472x1xi32>
    %sign3A_172 = arith.constant 0 : i32
    %sign3A_173 = vector.broadcast %sign3A_172 : i32 to vector<1472x1xi32>
    %sign3A_174 = arith.cmpi slt, %select_n3A_157, %sign3A_173 : vector<1472x1xi32>
    %sign3A_175 = arith.extui %sign3A_174 : vector<1472x1xi1> to vector<1472x1xi32>
    %sign3A_176 = arith.subi %sign3A_171, %sign3A_175 : vector<1472x1xi32>
    %sign3A_177 = arith.constant 0 : i32
    %sign3A_178 = arith.cmpi sgt, %jit3A_165, %sign3A_177 : i32
    %sign3A_179 = arith.extui %sign3A_178 : i1 to i32
    %sign3A_180 = arith.constant 0 : i32
    %sign3A_181 = arith.cmpi slt, %jit3A_165, %sign3A_180 : i32
    %sign3A_182 = arith.extui %sign3A_181 : i1 to i32
    %sign3A_183 = arith.subi %sign3A_179, %sign3A_182 : i32
    %ne3A_184 = vector.broadcast %sign3A_183 : i32 to vector<1472x1xi32>
    %ne3A_185 = arith.cmpi ne, %sign3A_176, %ne3A_184 : vector<1472x1xi32>
    %rem3A_186 = vector.broadcast %jit3A_165 : i32 to vector<1472x1xi32>
    %rem3A_187 = arith.remsi %select_n3A_157, %rem3A_186 : vector<1472x1xi32>
    %ne3A_188 = arith.constant 0 : i32
    %ne3A_189 = vector.broadcast %ne3A_188 : i32 to vector<1472x1xi32>
    %ne3A_190 = arith.cmpi ne, %rem3A_187, %ne3A_189 : vector<1472x1xi32>
    %and3A_191 = arith.andi %ne3A_185, %ne3A_190 : vector<1472x1xi1>
    %sub3A_192 = arith.constant 1 : i32
    %sub3A_193 = vector.broadcast %sub3A_192 : i32 to vector<1472x1xi32>
    %sub3A_194 = arith.subi %div3A_167, %sub3A_193 : vector<1472x1xi32>
    %select_n3A_195 = arith.select %and3A_191, %sub3A_194, %div3A_167 : vector<1472x1xi1>, vector<1472x1xi32>
    %add3A_196 = arith.addi %mul3A_164, %select_n3A_195 : vector<1472x1xi32>
    %jit3A_197 = arith.constant 100 : i32
    %div3A_198 = vector.broadcast %jit3A_197 : i32 to vector<1472x1xi32>
    %div3A_199 = arith.divsi %select_n3A_157, %div3A_198 : vector<1472x1xi32>
    %sign3A_200 = arith.constant 0 : i32
    %sign3A_201 = vector.broadcast %sign3A_200 : i32 to vector<1472x1xi32>
    %sign3A_202 = arith.cmpi sgt, %select_n3A_157, %sign3A_201 : vector<1472x1xi32>
    %sign3A_203 = arith.extui %sign3A_202 : vector<1472x1xi1> to vector<1472x1xi32>
    %sign3A_204 = arith.constant 0 : i32
    %sign3A_205 = vector.broadcast %sign3A_204 : i32 to vector<1472x1xi32>
    %sign3A_206 = arith.cmpi slt, %select_n3A_157, %sign3A_205 : vector<1472x1xi32>
    %sign3A_207 = arith.extui %sign3A_206 : vector<1472x1xi1> to vector<1472x1xi32>
    %sign3A_208 = arith.subi %sign3A_203, %sign3A_207 : vector<1472x1xi32>
    %sign3A_209 = arith.constant 0 : i32
    %sign3A_210 = arith.cmpi sgt, %jit3A_197, %sign3A_209 : i32
    %sign3A_211 = arith.extui %sign3A_210 : i1 to i32
    %sign3A_212 = arith.constant 0 : i32
    %sign3A_213 = arith.cmpi slt, %jit3A_197, %sign3A_212 : i32
    %sign3A_214 = arith.extui %sign3A_213 : i1 to i32
    %sign3A_215 = arith.subi %sign3A_211, %sign3A_214 : i32
    %ne3A_216 = vector.broadcast %sign3A_215 : i32 to vector<1472x1xi32>
    %ne3A_217 = arith.cmpi ne, %sign3A_208, %ne3A_216 : vector<1472x1xi32>
    %rem3A_218 = vector.broadcast %jit3A_197 : i32 to vector<1472x1xi32>
    %rem3A_219 = arith.remsi %select_n3A_157, %rem3A_218 : vector<1472x1xi32>
    %ne3A_220 = arith.constant 0 : i32
    %ne3A_221 = vector.broadcast %ne3A_220 : i32 to vector<1472x1xi32>
    %ne3A_222 = arith.cmpi ne, %rem3A_219, %ne3A_221 : vector<1472x1xi32>
    %and3A_223 = arith.andi %ne3A_217, %ne3A_222 : vector<1472x1xi1>
    %sub3A_224 = arith.constant 1 : i32
    %sub3A_225 = vector.broadcast %sub3A_224 : i32 to vector<1472x1xi32>
    %sub3A_226 = arith.subi %div3A_199, %sub3A_225 : vector<1472x1xi32>
    %select_n3A_227 = arith.select %and3A_223, %sub3A_226, %div3A_199 : vector<1472x1xi1>, vector<1472x1xi32>
    %sub3A_228 = arith.subi %add3A_196, %select_n3A_227 : vector<1472x1xi32>
    %sub3A_229 = arith.subi %sub3A_30, %sub3A_228 : vector<1472x1xi32>
    %mul3A_230 = arith.constant 5 : i32
    %mul3A_231 = vector.broadcast %mul3A_230 : i32 to vector<1472x1xi32>
    %mul3A_232 = arith.muli %mul3A_231, %sub3A_229 : vector<1472x1xi32>
    %add3A_233 = arith.constant 2 : i32
    %add3A_234 = vector.broadcast %add3A_233 : i32 to vector<1472x1xi32>
    %add3A_235 = arith.addi %mul3A_232, %add3A_234 : vector<1472x1xi32>
    %jit3A_236 = arith.constant 153 : i32
    %div3A_237 = vector.broadcast %jit3A_236 : i32 to vector<1472x1xi32>
    %div3A_238 = arith.divsi %add3A_235, %div3A_237 : vector<1472x1xi32>
    %sign3A_239 = arith.constant 0 : i32
    %sign3A_240 = vector.broadcast %sign3A_239 : i32 to vector<1472x1xi32>
    %sign3A_241 = arith.cmpi sgt, %add3A_235, %sign3A_240 : vector<1472x1xi32>
    %sign3A_242 = arith.extui %sign3A_241 : vector<1472x1xi1> to vector<1472x1xi32>
    %sign3A_243 = arith.constant 0 : i32
    %sign3A_244 = vector.broadcast %sign3A_243 : i32 to vector<1472x1xi32>
    %sign3A_245 = arith.cmpi slt, %add3A_235, %sign3A_244 : vector<1472x1xi32>
    %sign3A_246 = arith.extui %sign3A_245 : vector<1472x1xi1> to vector<1472x1xi32>
    %sign3A_247 = arith.subi %sign3A_242, %sign3A_246 : vector<1472x1xi32>
    %sign3A_248 = arith.constant 0 : i32
    %sign3A_249 = arith.cmpi sgt, %jit3A_236, %sign3A_248 : i32
    %sign3A_250 = arith.extui %sign3A_249 : i1 to i32
    %sign3A_251 = arith.constant 0 : i32
    %sign3A_252 = arith.cmpi slt, %jit3A_236, %sign3A_251 : i32
    %sign3A_253 = arith.extui %sign3A_252 : i1 to i32
    %sign3A_254 = arith.subi %sign3A_250, %sign3A_253 : i32
    %ne3A_255 = vector.broadcast %sign3A_254 : i32 to vector<1472x1xi32>
    %ne3A_256 = arith.cmpi ne, %sign3A_247, %ne3A_255 : vector<1472x1xi32>
    %rem3A_257 = vector.broadcast %jit3A_236 : i32 to vector<1472x1xi32>
    %rem3A_258 = arith.remsi %add3A_235, %rem3A_257 : vector<1472x1xi32>
    %ne3A_259 = arith.constant 0 : i32
    %ne3A_260 = vector.broadcast %ne3A_259 : i32 to vector<1472x1xi32>
    %ne3A_261 = arith.cmpi ne, %rem3A_258, %ne3A_260 : vector<1472x1xi32>
    %and3A_262 = arith.andi %ne3A_256, %ne3A_261 : vector<1472x1xi1>
    %sub3A_263 = arith.constant 1 : i32
    %sub3A_264 = vector.broadcast %sub3A_263 : i32 to vector<1472x1xi32>
    %sub3A_265 = arith.subi %div3A_238, %sub3A_264 : vector<1472x1xi32>
    %select_n3A_266 = arith.select %and3A_262, %sub3A_265, %div3A_238 : vector<1472x1xi1>, vector<1472x1xi32>
    %mul3A_267 = arith.constant 153 : i32
    %mul3A_268 = vector.broadcast %mul3A_267 : i32 to vector<1472x1xi32>
    %mul3A_269 = arith.muli %mul3A_268, %select_n3A_266 : vector<1472x1xi32>
    %add3A_270 = arith.constant 2 : i32
    %add3A_271 = vector.broadcast %add3A_270 : i32 to vector<1472x1xi32>
    %add3A_272 = arith.addi %mul3A_269, %add3A_271 : vector<1472x1xi32>
    %jit3A_273 = arith.constant 5 : i32
    %div3A_274 = vector.broadcast %jit3A_273 : i32 to vector<1472x1xi32>
    %div3A_275 = arith.divsi %add3A_272, %div3A_274 : vector<1472x1xi32>
    %sign3A_276 = arith.constant 0 : i32
    %sign3A_277 = vector.broadcast %sign3A_276 : i32 to vector<1472x1xi32>
    %sign3A_278 = arith.cmpi sgt, %add3A_272, %sign3A_277 : vector<1472x1xi32>
    %sign3A_279 = arith.extui %sign3A_278 : vector<1472x1xi1> to vector<1472x1xi32>
    %sign3A_280 = arith.constant 0 : i32
    %sign3A_281 = vector.broadcast %sign3A_280 : i32 to vector<1472x1xi32>
    %sign3A_282 = arith.cmpi slt, %add3A_272, %sign3A_281 : vector<1472x1xi32>
    %sign3A_283 = arith.extui %sign3A_282 : vector<1472x1xi1> to vector<1472x1xi32>
    %sign3A_284 = arith.subi %sign3A_279, %sign3A_283 : vector<1472x1xi32>
    %sign3A_285 = arith.constant 0 : i32
    %sign3A_286 = arith.cmpi sgt, %jit3A_273, %sign3A_285 : i32
    %sign3A_287 = arith.extui %sign3A_286 : i1 to i32
    %sign3A_288 = arith.constant 0 : i32
    %sign3A_289 = arith.cmpi slt, %jit3A_273, %sign3A_288 : i32
    %sign3A_290 = arith.extui %sign3A_289 : i1 to i32
    %sign3A_291 = arith.subi %sign3A_287, %sign3A_290 : i32
    %ne3A_292 = vector.broadcast %sign3A_291 : i32 to vector<1472x1xi32>
    %ne3A_293 = arith.cmpi ne, %sign3A_284, %ne3A_292 : vector<1472x1xi32>
    %rem3A_294 = vector.broadcast %jit3A_273 : i32 to vector<1472x1xi32>
    %rem3A_295 = arith.remsi %add3A_272, %rem3A_294 : vector<1472x1xi32>
    %ne3A_296 = arith.constant 0 : i32
    %ne3A_297 = vector.broadcast %ne3A_296 : i32 to vector<1472x1xi32>
    %ne3A_298 = arith.cmpi ne, %rem3A_295, %ne3A_297 : vector<1472x1xi32>
    %and3A_299 = arith.andi %ne3A_293, %ne3A_298 : vector<1472x1xi1>
    %sub3A_300 = arith.constant 1 : i32
    %sub3A_301 = vector.broadcast %sub3A_300 : i32 to vector<1472x1xi32>
    %sub3A_302 = arith.subi %div3A_275, %sub3A_301 : vector<1472x1xi32>
    %select_n3A_303 = arith.select %and3A_299, %sub3A_302, %div3A_275 : vector<1472x1xi1>, vector<1472x1xi32>
    %sub3A_304 = arith.subi %sub3A_229, %select_n3A_303 : vector<1472x1xi32>
    %add3A_305 = arith.constant 1 : i32
    %add3A_306 = vector.broadcast %add3A_305 : i32 to vector<1472x1xi32>
    %add3A_307 = arith.addi %sub3A_304, %add3A_306 : vector<1472x1xi32>
    %lt3A = arith.constant 10 : i32
    %lt3A_308 = vector.broadcast %lt3A : i32 to vector<1472x1xi32>
    %lt3A_309 = arith.cmpi slt, %select_n3A_266, %lt3A_308 : vector<1472x1xi32>
    %jit3A_310 = arith.constant 3 : i32
    %jit3A_311 = arith.constant -9 : i32
    %broadcast_in_dim3A = vector.broadcast %jit3A_310 : i32 to vector<1472x1xi32>
    %broadcast_in_dim3A_312 = vector.broadcast %jit3A_311 : i32 to vector<1472x1xi32>
    %select_n3A_313 = arith.select %lt3A_309, %broadcast_in_dim3A, %broadcast_in_dim3A_312 : vector<1472x1xi1>, vector<1472x1xi32>
    %add3A_314 = arith.addi %select_n3A_266, %select_n3A_313 : vector<1472x1xi32>
    %le3A = arith.constant 2 : i32
    %le3A_315 = vector.broadcast %le3A : i32 to vector<1472x1xi32>
    %le3A_316 = arith.cmpi sle, %add3A_314, %le3A_315 : vector<1472x1xi32>
    %convert_element_type3A = arith.extui %le3A_316 : vector<1472x1xi1> to vector<1472x1xi32>
    %add3A_317 = arith.addi %add3A_161, %convert_element_type3A : vector<1472x1xi32>
    %add3A_318 = arith.constant 3 : i32
    %add3A_319 = vector.broadcast %add3A_318 : i32 to vector<1472x1xi32>
    %add3A_320 = arith.addi %add3A_1, %add3A_319 : vector<1472x1xi32>
    %jit3A_321 = arith.constant 7 : i32
    %eq3A = arith.constant 0 : i32
    %eq3A_322 = arith.cmpi eq, %jit3A_321, %eq3A : i32
    %jit3A_323 = arith.constant 1 : i32
    %select_n3A_324 = arith.select %eq3A_322, %jit3A_323, %jit3A_321 : i32
    %rem3A_325 = vector.broadcast %select_n3A_324 : i32 to vector<1472x1xi32>
    %rem3A_326 = arith.remsi %add3A_320, %rem3A_325 : vector<1472x1xi32>
    %ne3A_327 = arith.constant 0 : i32
    %ne3A_328 = vector.broadcast %ne3A_327 : i32 to vector<1472x1xi32>
    %ne3A_329 = arith.cmpi ne, %rem3A_326, %ne3A_328 : vector<1472x1xi32>
    %lt3A_330 = arith.constant 0 : i32
    %lt3A_331 = vector.broadcast %lt3A_330 : i32 to vector<1472x1xi32>
    %lt3A_332 = arith.cmpi slt, %rem3A_326, %lt3A_331 : vector<1472x1xi32>
    %lt3A_333 = arith.constant 0 : i32
    %lt3A_334 = arith.cmpi slt, %select_n3A_324, %lt3A_333 : i32
    %ne3A_335 = vector.broadcast %lt3A_334 : i1 to vector<1472x1xi1>
    %ne3A_336 = vector.broadcast %ne3A_335 : vector<1472x1xi1> to vector<1472x1xi1>
    %ne3A_337 = arith.xori %lt3A_332, %ne3A_336 : vector<1472x1xi1>
    %and3A_338 = arith.andi %ne3A_337, %ne3A_329 : vector<1472x1xi1>
    %add3A_339 = vector.broadcast %select_n3A_324 : i32 to vector<1472x1xi32>
    %add3A_340 = arith.addi %rem3A_326, %add3A_339 : vector<1472x1xi32>
    %select_n3A_341 = arith.select %and3A_338, %add3A_340, %rem3A_326 : vector<1472x1xi1>, vector<1472x1xi32>
    %sub3A_342 = arith.constant 1 : i32
    %sub3A_343 = vector.broadcast %sub3A_342 : i32 to vector<1472x1xi32>
    %sub3A_344 = arith.subi %add3A_317, %sub3A_343 : vector<1472x1xi32>
    %jit3A_345 = arith.constant 400 : i32
    %div3A_346 = vector.broadcast %jit3A_345 : i32 to vector<1472x1xi32>
    %div3A_347 = arith.divsi %sub3A_344, %div3A_346 : vector<1472x1xi32>
    %sign3A_348 = arith.constant 0 : i32
    %sign3A_349 = vector.broadcast %sign3A_348 : i32 to vector<1472x1xi32>
    %sign3A_350 = arith.cmpi sgt, %sub3A_344, %sign3A_349 : vector<1472x1xi32>
    %sign3A_351 = arith.extui %sign3A_350 : vector<1472x1xi1> to vector<1472x1xi32>
    %sign3A_352 = arith.constant 0 : i32
    %sign3A_353 = vector.broadcast %sign3A_352 : i32 to vector<1472x1xi32>
    %sign3A_354 = arith.cmpi slt, %sub3A_344, %sign3A_353 : vector<1472x1xi32>
    %sign3A_355 = arith.extui %sign3A_354 : vector<1472x1xi1> to vector<1472x1xi32>
    %sign3A_356 = arith.subi %sign3A_351, %sign3A_355 : vector<1472x1xi32>
    %sign3A_357 = arith.constant 0 : i32
    %sign3A_358 = arith.cmpi sgt, %jit3A_345, %sign3A_357 : i32
    %sign3A_359 = arith.extui %sign3A_358 : i1 to i32
    %sign3A_360 = arith.constant 0 : i32
    %sign3A_361 = arith.cmpi slt, %jit3A_345, %sign3A_360 : i32
    %sign3A_362 = arith.extui %sign3A_361 : i1 to i32
    %sign3A_363 = arith.subi %sign3A_359, %sign3A_362 : i32
    %ne3A_364 = vector.broadcast %sign3A_363 : i32 to vector<1472x1xi32>
    %ne3A_365 = arith.cmpi ne, %sign3A_356, %ne3A_364 : vector<1472x1xi32>
    %rem3A_366 = vector.broadcast %jit3A_345 : i32 to vector<1472x1xi32>
    %rem3A_367 = arith.remsi %sub3A_344, %rem3A_366 : vector<1472x1xi32>
    %ne3A_368 = arith.constant 0 : i32
    %ne3A_369 = vector.broadcast %ne3A_368 : i32 to vector<1472x1xi32>
    %ne3A_370 = arith.cmpi ne, %rem3A_367, %ne3A_369 : vector<1472x1xi32>
    %and3A_371 = arith.andi %ne3A_365, %ne3A_370 : vector<1472x1xi1>
    %sub3A_372 = arith.constant 1 : i32
    %sub3A_373 = vector.broadcast %sub3A_372 : i32 to vector<1472x1xi32>
    %sub3A_374 = arith.subi %div3A_347, %sub3A_373 : vector<1472x1xi32>
    %select_n3A_375 = arith.select %and3A_371, %sub3A_374, %div3A_347 : vector<1472x1xi1>, vector<1472x1xi32>
    %mul3A_376 = arith.constant 400 : i32
    %mul3A_377 = vector.broadcast %mul3A_376 : i32 to vector<1472x1xi32>
    %mul3A_378 = arith.muli %select_n3A_375, %mul3A_377 : vector<1472x1xi32>
    %sub3A_379 = arith.subi %sub3A_344, %mul3A_378 : vector<1472x1xi32>
    %mul3A_380 = arith.constant 365 : i32
    %mul3A_381 = vector.broadcast %mul3A_380 : i32 to vector<1472x1xi32>
    %mul3A_382 = arith.muli %sub3A_379, %mul3A_381 : vector<1472x1xi32>
    %jit3A_383 = arith.constant 4 : i32
    %div3A_384 = vector.broadcast %jit3A_383 : i32 to vector<1472x1xi32>
    %div3A_385 = arith.divsi %sub3A_379, %div3A_384 : vector<1472x1xi32>
    %sign3A_386 = arith.constant 0 : i32
    %sign3A_387 = vector.broadcast %sign3A_386 : i32 to vector<1472x1xi32>
    %sign3A_388 = arith.cmpi sgt, %sub3A_379, %sign3A_387 : vector<1472x1xi32>
    %sign3A_389 = arith.extui %sign3A_388 : vector<1472x1xi1> to vector<1472x1xi32>
    %sign3A_390 = arith.constant 0 : i32
    %sign3A_391 = vector.broadcast %sign3A_390 : i32 to vector<1472x1xi32>
    %sign3A_392 = arith.cmpi slt, %sub3A_379, %sign3A_391 : vector<1472x1xi32>
    %sign3A_393 = arith.extui %sign3A_392 : vector<1472x1xi1> to vector<1472x1xi32>
    %sign3A_394 = arith.subi %sign3A_389, %sign3A_393 : vector<1472x1xi32>
    %sign3A_395 = arith.constant 0 : i32
    %sign3A_396 = arith.cmpi sgt, %jit3A_383, %sign3A_395 : i32
    %sign3A_397 = arith.extui %sign3A_396 : i1 to i32
    %sign3A_398 = arith.constant 0 : i32
    %sign3A_399 = arith.cmpi slt, %jit3A_383, %sign3A_398 : i32
    %sign3A_400 = arith.extui %sign3A_399 : i1 to i32
    %sign3A_401 = arith.subi %sign3A_397, %sign3A_400 : i32
    %ne3A_402 = vector.broadcast %sign3A_401 : i32 to vector<1472x1xi32>
    %ne3A_403 = arith.cmpi ne, %sign3A_394, %ne3A_402 : vector<1472x1xi32>
    %rem3A_404 = vector.broadcast %jit3A_383 : i32 to vector<1472x1xi32>
    %rem3A_405 = arith.remsi %sub3A_379, %rem3A_404 : vector<1472x1xi32>
    %ne3A_406 = arith.constant 0 : i32
    %ne3A_407 = vector.broadcast %ne3A_406 : i32 to vector<1472x1xi32>
    %ne3A_408 = arith.cmpi ne, %rem3A_405, %ne3A_407 : vector<1472x1xi32>
    %and3A_409 = arith.andi %ne3A_403, %ne3A_408 : vector<1472x1xi1>
    %sub3A_410 = arith.constant 1 : i32
    %sub3A_411 = vector.broadcast %sub3A_410 : i32 to vector<1472x1xi32>
    %sub3A_412 = arith.subi %div3A_385, %sub3A_411 : vector<1472x1xi32>
    %select_n3A_413 = arith.select %and3A_409, %sub3A_412, %div3A_385 : vector<1472x1xi1>, vector<1472x1xi32>
    %add3A_414 = arith.addi %mul3A_382, %select_n3A_413 : vector<1472x1xi32>
    %jit3A_415 = arith.constant 100 : i32
    %div3A_416 = vector.broadcast %jit3A_415 : i32 to vector<1472x1xi32>
    %div3A_417 = arith.divsi %sub3A_379, %div3A_416 : vector<1472x1xi32>
    %sign3A_418 = arith.constant 0 : i32
    %sign3A_419 = vector.broadcast %sign3A_418 : i32 to vector<1472x1xi32>
    %sign3A_420 = arith.cmpi sgt, %sub3A_379, %sign3A_419 : vector<1472x1xi32>
    %sign3A_421 = arith.extui %sign3A_420 : vector<1472x1xi1> to vector<1472x1xi32>
    %sign3A_422 = arith.constant 0 : i32
    %sign3A_423 = vector.broadcast %sign3A_422 : i32 to vector<1472x1xi32>
    %sign3A_424 = arith.cmpi slt, %sub3A_379, %sign3A_423 : vector<1472x1xi32>
    %sign3A_425 = arith.extui %sign3A_424 : vector<1472x1xi1> to vector<1472x1xi32>
    %sign3A_426 = arith.subi %sign3A_421, %sign3A_425 : vector<1472x1xi32>
    %sign3A_427 = arith.constant 0 : i32
    %sign3A_428 = arith.cmpi sgt, %jit3A_415, %sign3A_427 : i32
    %sign3A_429 = arith.extui %sign3A_428 : i1 to i32
    %sign3A_430 = arith.constant 0 : i32
    %sign3A_431 = arith.cmpi slt, %jit3A_415, %sign3A_430 : i32
    %sign3A_432 = arith.extui %sign3A_431 : i1 to i32
    %sign3A_433 = arith.subi %sign3A_429, %sign3A_432 : i32
    %ne3A_434 = vector.broadcast %sign3A_433 : i32 to vector<1472x1xi32>
    %ne3A_435 = arith.cmpi ne, %sign3A_426, %ne3A_434 : vector<1472x1xi32>
    %rem3A_436 = vector.broadcast %jit3A_415 : i32 to vector<1472x1xi32>
    %rem3A_437 = arith.remsi %sub3A_379, %rem3A_436 : vector<1472x1xi32>
    %ne3A_438 = arith.constant 0 : i32
    %ne3A_439 = vector.broadcast %ne3A_438 : i32 to vector<1472x1xi32>
    %ne3A_440 = arith.cmpi ne, %rem3A_437, %ne3A_439 : vector<1472x1xi32>
    %and3A_441 = arith.andi %ne3A_435, %ne3A_440 : vector<1472x1xi1>
    %sub3A_442 = arith.constant 1 : i32
    %sub3A_443 = vector.broadcast %sub3A_442 : i32 to vector<1472x1xi32>
    %sub3A_444 = arith.subi %div3A_417, %sub3A_443 : vector<1472x1xi32>
    %select_n3A_445 = arith.select %and3A_441, %sub3A_444, %div3A_417 : vector<1472x1xi1>, vector<1472x1xi32>
    %sub3A_446 = arith.subi %add3A_414, %select_n3A_445 : vector<1472x1xi32>
    %add3A_447 = arith.constant 306 : i32
    %add3A_448 = vector.broadcast %add3A_447 : i32 to vector<1472x1xi32>
    %add3A_449 = arith.addi %sub3A_446, %add3A_448 : vector<1472x1xi32>
    %mul3A_450 = arith.constant 146097 : i32
    %mul3A_451 = vector.broadcast %mul3A_450 : i32 to vector<1472x1xi32>
    %mul3A_452 = arith.muli %select_n3A_375, %mul3A_451 : vector<1472x1xi32>
    %add3A_453 = arith.addi %mul3A_452, %add3A_449 : vector<1472x1xi32>
    %sub3A_454 = arith.constant 719468 : i32
    %sub3A_455 = vector.broadcast %sub3A_454 : i32 to vector<1472x1xi32>
    %sub3A_456 = arith.subi %add3A_453, %sub3A_455 : vector<1472x1xi32>
    %sub3A_457 = arith.subi %add3A_1, %sub3A_456 : vector<1472x1xi32>
    %add3A_458 = arith.constant 1 : i32
    %add3A_459 = vector.broadcast %add3A_458 : i32 to vector<1472x1xi32>
    %add3A_460 = arith.addi %sub3A_457, %add3A_459 : vector<1472x1xi32>
    %convert_element_type3A_461 = arith.sitofp %add3A_460 : vector<1472x1xi32> to vector<1472x1xf32>
    %convert_element_type3A_462 = arith.sitofp %add3A_307 : vector<1472x1xi32> to vector<1472x1xf32>
    %sub3A_463 = arith.constant 1 : i32
    %sub3A_464 = vector.broadcast %sub3A_463 : i32 to vector<1472x1xi32>
    %sub3A_465 = arith.subi %add3A_314, %sub3A_464 : vector<1472x1xi32>
    %jit3A_466 = arith.constant 3 : i32
    %div3A_467 = vector.broadcast %jit3A_466 : i32 to vector<1472x1xi32>
    %div3A_468 = arith.divsi %sub3A_465, %div3A_467 : vector<1472x1xi32>
    %sign3A_469 = arith.constant 0 : i32
    %sign3A_470 = vector.broadcast %sign3A_469 : i32 to vector<1472x1xi32>
    %sign3A_471 = arith.cmpi sgt, %sub3A_465, %sign3A_470 : vector<1472x1xi32>
    %sign3A_472 = arith.extui %sign3A_471 : vector<1472x1xi1> to vector<1472x1xi32>
    %sign3A_473 = arith.constant 0 : i32
    %sign3A_474 = vector.broadcast %sign3A_473 : i32 to vector<1472x1xi32>
    %sign3A_475 = arith.cmpi slt, %sub3A_465, %sign3A_474 : vector<1472x1xi32>
    %sign3A_476 = arith.extui %sign3A_475 : vector<1472x1xi1> to vector<1472x1xi32>
    %sign3A_477 = arith.subi %sign3A_472, %sign3A_476 : vector<1472x1xi32>
    %sign3A_478 = arith.constant 0 : i32
    %sign3A_479 = arith.cmpi sgt, %jit3A_466, %sign3A_478 : i32
    %sign3A_480 = arith.extui %sign3A_479 : i1 to i32
    %sign3A_481 = arith.constant 0 : i32
    %sign3A_482 = arith.cmpi slt, %jit3A_466, %sign3A_481 : i32
    %sign3A_483 = arith.extui %sign3A_482 : i1 to i32
    %sign3A_484 = arith.subi %sign3A_480, %sign3A_483 : i32
    %ne3A_485 = vector.broadcast %sign3A_484 : i32 to vector<1472x1xi32>
    %ne3A_486 = arith.cmpi ne, %sign3A_477, %ne3A_485 : vector<1472x1xi32>
    %rem3A_487 = vector.broadcast %jit3A_466 : i32 to vector<1472x1xi32>
    %rem3A_488 = arith.remsi %sub3A_465, %rem3A_487 : vector<1472x1xi32>
    %ne3A_489 = arith.constant 0 : i32
    %ne3A_490 = vector.broadcast %ne3A_489 : i32 to vector<1472x1xi32>
    %ne3A_491 = arith.cmpi ne, %rem3A_488, %ne3A_490 : vector<1472x1xi32>
    %and3A_492 = arith.andi %ne3A_486, %ne3A_491 : vector<1472x1xi1>
    %sub3A_493 = arith.constant 1 : i32
    %sub3A_494 = vector.broadcast %sub3A_493 : i32 to vector<1472x1xi32>
    %sub3A_495 = arith.subi %div3A_468, %sub3A_494 : vector<1472x1xi32>
    %select_n3A_496 = arith.select %and3A_492, %sub3A_495, %div3A_468 : vector<1472x1xi1>, vector<1472x1xi32>
    %add3A_497 = arith.constant 1 : i32
    %add3A_498 = vector.broadcast %add3A_497 : i32 to vector<1472x1xi32>
    %add3A_499 = arith.addi %add3A_4, %add3A_498 : vector<1472x1xi32>
    %jit3A_500 = arith.constant 146097 : i32
    %div3A_501 = vector.broadcast %jit3A_500 : i32 to vector<1472x1xi32>
    %div3A_502 = arith.divsi %add3A_499, %div3A_501 : vector<1472x1xi32>
    %sign3A_503 = arith.constant 0 : i32
    %sign3A_504 = vector.broadcast %sign3A_503 : i32 to vector<1472x1xi32>
    %sign3A_505 = arith.cmpi sgt, %add3A_499, %sign3A_504 : vector<1472x1xi32>
    %sign3A_506 = arith.extui %sign3A_505 : vector<1472x1xi1> to vector<1472x1xi32>
    %sign3A_507 = arith.constant 0 : i32
    %sign3A_508 = vector.broadcast %sign3A_507 : i32 to vector<1472x1xi32>
    %sign3A_509 = arith.cmpi slt, %add3A_499, %sign3A_508 : vector<1472x1xi32>
    %sign3A_510 = arith.extui %sign3A_509 : vector<1472x1xi1> to vector<1472x1xi32>
    %sign3A_511 = arith.subi %sign3A_506, %sign3A_510 : vector<1472x1xi32>
    %sign3A_512 = arith.constant 0 : i32
    %sign3A_513 = arith.cmpi sgt, %jit3A_500, %sign3A_512 : i32
    %sign3A_514 = arith.extui %sign3A_513 : i1 to i32
    %sign3A_515 = arith.constant 0 : i32
    %sign3A_516 = arith.cmpi slt, %jit3A_500, %sign3A_515 : i32
    %sign3A_517 = arith.extui %sign3A_516 : i1 to i32
    %sign3A_518 = arith.subi %sign3A_514, %sign3A_517 : i32
    %ne3A_519 = vector.broadcast %sign3A_518 : i32 to vector<1472x1xi32>
    %ne3A_520 = arith.cmpi ne, %sign3A_511, %ne3A_519 : vector<1472x1xi32>
    %rem3A_521 = vector.broadcast %jit3A_500 : i32 to vector<1472x1xi32>
    %rem3A_522 = arith.remsi %add3A_499, %rem3A_521 : vector<1472x1xi32>
    %ne3A_523 = arith.constant 0 : i32
    %ne3A_524 = vector.broadcast %ne3A_523 : i32 to vector<1472x1xi32>
    %ne3A_525 = arith.cmpi ne, %rem3A_522, %ne3A_524 : vector<1472x1xi32>
    %and3A_526 = arith.andi %ne3A_520, %ne3A_525 : vector<1472x1xi1>
    %sub3A_527 = arith.constant 1 : i32
    %sub3A_528 = vector.broadcast %sub3A_527 : i32 to vector<1472x1xi32>
    %sub3A_529 = arith.subi %div3A_502, %sub3A_528 : vector<1472x1xi32>
    %select_n3A_530 = arith.select %and3A_526, %sub3A_529, %div3A_502 : vector<1472x1xi1>, vector<1472x1xi32>
    %mul3A_531 = arith.constant 146097 : i32
    %mul3A_532 = vector.broadcast %mul3A_531 : i32 to vector<1472x1xi32>
    %mul3A_533 = arith.muli %select_n3A_530, %mul3A_532 : vector<1472x1xi32>
    %sub3A_534 = arith.subi %add3A_499, %mul3A_533 : vector<1472x1xi32>
    %jit3A_535 = arith.constant 1460 : i32
    %div3A_536 = vector.broadcast %jit3A_535 : i32 to vector<1472x1xi32>
    %div3A_537 = arith.divsi %sub3A_534, %div3A_536 : vector<1472x1xi32>
    %sign3A_538 = arith.constant 0 : i32
    %sign3A_539 = vector.broadcast %sign3A_538 : i32 to vector<1472x1xi32>
    %sign3A_540 = arith.cmpi sgt, %sub3A_534, %sign3A_539 : vector<1472x1xi32>
    %sign3A_541 = arith.extui %sign3A_540 : vector<1472x1xi1> to vector<1472x1xi32>
    %sign3A_542 = arith.constant 0 : i32
    %sign3A_543 = vector.broadcast %sign3A_542 : i32 to vector<1472x1xi32>
    %sign3A_544 = arith.cmpi slt, %sub3A_534, %sign3A_543 : vector<1472x1xi32>
    %sign3A_545 = arith.extui %sign3A_544 : vector<1472x1xi1> to vector<1472x1xi32>
    %sign3A_546 = arith.subi %sign3A_541, %sign3A_545 : vector<1472x1xi32>
    %sign3A_547 = arith.constant 0 : i32
    %sign3A_548 = arith.cmpi sgt, %jit3A_535, %sign3A_547 : i32
    %sign3A_549 = arith.extui %sign3A_548 : i1 to i32
    %sign3A_550 = arith.constant 0 : i32
    %sign3A_551 = arith.cmpi slt, %jit3A_535, %sign3A_550 : i32
    %sign3A_552 = arith.extui %sign3A_551 : i1 to i32
    %sign3A_553 = arith.subi %sign3A_549, %sign3A_552 : i32
    %ne3A_554 = vector.broadcast %sign3A_553 : i32 to vector<1472x1xi32>
    %ne3A_555 = arith.cmpi ne, %sign3A_546, %ne3A_554 : vector<1472x1xi32>
    %rem3A_556 = vector.broadcast %jit3A_535 : i32 to vector<1472x1xi32>
    %rem3A_557 = arith.remsi %sub3A_534, %rem3A_556 : vector<1472x1xi32>
    %ne3A_558 = arith.constant 0 : i32
    %ne3A_559 = vector.broadcast %ne3A_558 : i32 to vector<1472x1xi32>
    %ne3A_560 = arith.cmpi ne, %rem3A_557, %ne3A_559 : vector<1472x1xi32>
    %and3A_561 = arith.andi %ne3A_555, %ne3A_560 : vector<1472x1xi1>
    %sub3A_562 = arith.constant 1 : i32
    %sub3A_563 = vector.broadcast %sub3A_562 : i32 to vector<1472x1xi32>
    %sub3A_564 = arith.subi %div3A_537, %sub3A_563 : vector<1472x1xi32>
    %select_n3A_565 = arith.select %and3A_561, %sub3A_564, %div3A_537 : vector<1472x1xi1>, vector<1472x1xi32>
    %sub3A_566 = arith.subi %sub3A_534, %select_n3A_565 : vector<1472x1xi32>
    %jit3A_567 = arith.constant 36524 : i32
    %div3A_568 = vector.broadcast %jit3A_567 : i32 to vector<1472x1xi32>
    %div3A_569 = arith.divsi %sub3A_534, %div3A_568 : vector<1472x1xi32>
    %sign3A_570 = arith.constant 0 : i32
    %sign3A_571 = vector.broadcast %sign3A_570 : i32 to vector<1472x1xi32>
    %sign3A_572 = arith.cmpi sgt, %sub3A_534, %sign3A_571 : vector<1472x1xi32>
    %sign3A_573 = arith.extui %sign3A_572 : vector<1472x1xi1> to vector<1472x1xi32>
    %sign3A_574 = arith.constant 0 : i32
    %sign3A_575 = vector.broadcast %sign3A_574 : i32 to vector<1472x1xi32>
    %sign3A_576 = arith.cmpi slt, %sub3A_534, %sign3A_575 : vector<1472x1xi32>
    %sign3A_577 = arith.extui %sign3A_576 : vector<1472x1xi1> to vector<1472x1xi32>
    %sign3A_578 = arith.subi %sign3A_573, %sign3A_577 : vector<1472x1xi32>
    %sign3A_579 = arith.constant 0 : i32
    %sign3A_580 = arith.cmpi sgt, %jit3A_567, %sign3A_579 : i32
    %sign3A_581 = arith.extui %sign3A_580 : i1 to i32
    %sign3A_582 = arith.constant 0 : i32
    %sign3A_583 = arith.cmpi slt, %jit3A_567, %sign3A_582 : i32
    %sign3A_584 = arith.extui %sign3A_583 : i1 to i32
    %sign3A_585 = arith.subi %sign3A_581, %sign3A_584 : i32
    %ne3A_586 = vector.broadcast %sign3A_585 : i32 to vector<1472x1xi32>
    %ne3A_587 = arith.cmpi ne, %sign3A_578, %ne3A_586 : vector<1472x1xi32>
    %rem3A_588 = vector.broadcast %jit3A_567 : i32 to vector<1472x1xi32>
    %rem3A_589 = arith.remsi %sub3A_534, %rem3A_588 : vector<1472x1xi32>
    %ne3A_590 = arith.constant 0 : i32
    %ne3A_591 = vector.broadcast %ne3A_590 : i32 to vector<1472x1xi32>
    %ne3A_592 = arith.cmpi ne, %rem3A_589, %ne3A_591 : vector<1472x1xi32>
    %and3A_593 = arith.andi %ne3A_587, %ne3A_592 : vector<1472x1xi1>
    %sub3A_594 = arith.constant 1 : i32
    %sub3A_595 = vector.broadcast %sub3A_594 : i32 to vector<1472x1xi32>
    %sub3A_596 = arith.subi %div3A_569, %sub3A_595 : vector<1472x1xi32>
    %select_n3A_597 = arith.select %and3A_593, %sub3A_596, %div3A_569 : vector<1472x1xi1>, vector<1472x1xi32>
    %add3A_598 = arith.addi %sub3A_566, %select_n3A_597 : vector<1472x1xi32>
    %jit3A_599 = arith.constant 146096 : i32
    %div3A_600 = vector.broadcast %jit3A_599 : i32 to vector<1472x1xi32>
    %div3A_601 = arith.divsi %sub3A_534, %div3A_600 : vector<1472x1xi32>
    %sign3A_602 = arith.constant 0 : i32
    %sign3A_603 = vector.broadcast %sign3A_602 : i32 to vector<1472x1xi32>
    %sign3A_604 = arith.cmpi sgt, %sub3A_534, %sign3A_603 : vector<1472x1xi32>
    %sign3A_605 = arith.extui %sign3A_604 : vector<1472x1xi1> to vector<1472x1xi32>
    %sign3A_606 = arith.constant 0 : i32
    %sign3A_607 = vector.broadcast %sign3A_606 : i32 to vector<1472x1xi32>
    %sign3A_608 = arith.cmpi slt, %sub3A_534, %sign3A_607 : vector<1472x1xi32>
    %sign3A_609 = arith.extui %sign3A_608 : vector<1472x1xi1> to vector<1472x1xi32>
    %sign3A_610 = arith.subi %sign3A_605, %sign3A_609 : vector<1472x1xi32>
    %sign3A_611 = arith.constant 0 : i32
    %sign3A_612 = arith.cmpi sgt, %jit3A_599, %sign3A_611 : i32
    %sign3A_613 = arith.extui %sign3A_612 : i1 to i32
    %sign3A_614 = arith.constant 0 : i32
    %sign3A_615 = arith.cmpi slt, %jit3A_599, %sign3A_614 : i32
    %sign3A_616 = arith.extui %sign3A_615 : i1 to i32
    %sign3A_617 = arith.subi %sign3A_613, %sign3A_616 : i32
    %ne3A_618 = vector.broadcast %sign3A_617 : i32 to vector<1472x1xi32>
    %ne3A_619 = arith.cmpi ne, %sign3A_610, %ne3A_618 : vector<1472x1xi32>
    %rem3A_620 = vector.broadcast %jit3A_599 : i32 to vector<1472x1xi32>
    %rem3A_621 = arith.remsi %sub3A_534, %rem3A_620 : vector<1472x1xi32>
    %ne3A_622 = arith.constant 0 : i32
    %ne3A_623 = vector.broadcast %ne3A_622 : i32 to vector<1472x1xi32>
    %ne3A_624 = arith.cmpi ne, %rem3A_621, %ne3A_623 : vector<1472x1xi32>
    %and3A_625 = arith.andi %ne3A_619, %ne3A_624 : vector<1472x1xi1>
    %sub3A_626 = arith.constant 1 : i32
    %sub3A_627 = vector.broadcast %sub3A_626 : i32 to vector<1472x1xi32>
    %sub3A_628 = arith.subi %div3A_601, %sub3A_627 : vector<1472x1xi32>
    %select_n3A_629 = arith.select %and3A_625, %sub3A_628, %div3A_601 : vector<1472x1xi1>, vector<1472x1xi32>
    %sub3A_630 = arith.subi %add3A_598, %select_n3A_629 : vector<1472x1xi32>
    %jit3A_631 = arith.constant 365 : i32
    %div3A_632 = vector.broadcast %jit3A_631 : i32 to vector<1472x1xi32>
    %div3A_633 = arith.divsi %sub3A_630, %div3A_632 : vector<1472x1xi32>
    %sign3A_634 = arith.constant 0 : i32
    %sign3A_635 = vector.broadcast %sign3A_634 : i32 to vector<1472x1xi32>
    %sign3A_636 = arith.cmpi sgt, %sub3A_630, %sign3A_635 : vector<1472x1xi32>
    %sign3A_637 = arith.extui %sign3A_636 : vector<1472x1xi1> to vector<1472x1xi32>
    %sign3A_638 = arith.constant 0 : i32
    %sign3A_639 = vector.broadcast %sign3A_638 : i32 to vector<1472x1xi32>
    %sign3A_640 = arith.cmpi slt, %sub3A_630, %sign3A_639 : vector<1472x1xi32>
    %sign3A_641 = arith.extui %sign3A_640 : vector<1472x1xi1> to vector<1472x1xi32>
    %sign3A_642 = arith.subi %sign3A_637, %sign3A_641 : vector<1472x1xi32>
    %sign3A_643 = arith.constant 0 : i32
    %sign3A_644 = arith.cmpi sgt, %jit3A_631, %sign3A_643 : i32
    %sign3A_645 = arith.extui %sign3A_644 : i1 to i32
    %sign3A_646 = arith.constant 0 : i32
    %sign3A_647 = arith.cmpi slt, %jit3A_631, %sign3A_646 : i32
    %sign3A_648 = arith.extui %sign3A_647 : i1 to i32
    %sign3A_649 = arith.subi %sign3A_645, %sign3A_648 : i32
    %ne3A_650 = vector.broadcast %sign3A_649 : i32 to vector<1472x1xi32>
    %ne3A_651 = arith.cmpi ne, %sign3A_642, %ne3A_650 : vector<1472x1xi32>
    %rem3A_652 = vector.broadcast %jit3A_631 : i32 to vector<1472x1xi32>
    %rem3A_653 = arith.remsi %sub3A_630, %rem3A_652 : vector<1472x1xi32>
    %ne3A_654 = arith.constant 0 : i32
    %ne3A_655 = vector.broadcast %ne3A_654 : i32 to vector<1472x1xi32>
    %ne3A_656 = arith.cmpi ne, %rem3A_653, %ne3A_655 : vector<1472x1xi32>
    %and3A_657 = arith.andi %ne3A_651, %ne3A_656 : vector<1472x1xi1>
    %sub3A_658 = arith.constant 1 : i32
    %sub3A_659 = vector.broadcast %sub3A_658 : i32 to vector<1472x1xi32>
    %sub3A_660 = arith.subi %div3A_633, %sub3A_659 : vector<1472x1xi32>
    %select_n3A_661 = arith.select %and3A_657, %sub3A_660, %div3A_633 : vector<1472x1xi1>, vector<1472x1xi32>
    %mul3A_662 = arith.constant 365 : i32
    %mul3A_663 = vector.broadcast %mul3A_662 : i32 to vector<1472x1xi32>
    %mul3A_664 = arith.muli %mul3A_663, %select_n3A_661 : vector<1472x1xi32>
    %jit3A_665 = arith.constant 4 : i32
    %div3A_666 = vector.broadcast %jit3A_665 : i32 to vector<1472x1xi32>
    %div3A_667 = arith.divsi %select_n3A_661, %div3A_666 : vector<1472x1xi32>
    %sign3A_668 = arith.constant 0 : i32
    %sign3A_669 = vector.broadcast %sign3A_668 : i32 to vector<1472x1xi32>
    %sign3A_670 = arith.cmpi sgt, %select_n3A_661, %sign3A_669 : vector<1472x1xi32>
    %sign3A_671 = arith.extui %sign3A_670 : vector<1472x1xi1> to vector<1472x1xi32>
    %sign3A_672 = arith.constant 0 : i32
    %sign3A_673 = vector.broadcast %sign3A_672 : i32 to vector<1472x1xi32>
    %sign3A_674 = arith.cmpi slt, %select_n3A_661, %sign3A_673 : vector<1472x1xi32>
    %sign3A_675 = arith.extui %sign3A_674 : vector<1472x1xi1> to vector<1472x1xi32>
    %sign3A_676 = arith.subi %sign3A_671, %sign3A_675 : vector<1472x1xi32>
    %sign3A_677 = arith.constant 0 : i32
    %sign3A_678 = arith.cmpi sgt, %jit3A_665, %sign3A_677 : i32
    %sign3A_679 = arith.extui %sign3A_678 : i1 to i32
    %sign3A_680 = arith.constant 0 : i32
    %sign3A_681 = arith.cmpi slt, %jit3A_665, %sign3A_680 : i32
    %sign3A_682 = arith.extui %sign3A_681 : i1 to i32
    %sign3A_683 = arith.subi %sign3A_679, %sign3A_682 : i32
    %ne3A_684 = vector.broadcast %sign3A_683 : i32 to vector<1472x1xi32>
    %ne3A_685 = arith.cmpi ne, %sign3A_676, %ne3A_684 : vector<1472x1xi32>
    %rem3A_686 = vector.broadcast %jit3A_665 : i32 to vector<1472x1xi32>
    %rem3A_687 = arith.remsi %select_n3A_661, %rem3A_686 : vector<1472x1xi32>
    %ne3A_688 = arith.constant 0 : i32
    %ne3A_689 = vector.broadcast %ne3A_688 : i32 to vector<1472x1xi32>
    %ne3A_690 = arith.cmpi ne, %rem3A_687, %ne3A_689 : vector<1472x1xi32>
    %and3A_691 = arith.andi %ne3A_685, %ne3A_690 : vector<1472x1xi1>
    %sub3A_692 = arith.constant 1 : i32
    %sub3A_693 = vector.broadcast %sub3A_692 : i32 to vector<1472x1xi32>
    %sub3A_694 = arith.subi %div3A_667, %sub3A_693 : vector<1472x1xi32>
    %select_n3A_695 = arith.select %and3A_691, %sub3A_694, %div3A_667 : vector<1472x1xi1>, vector<1472x1xi32>
    %add3A_696 = arith.addi %mul3A_664, %select_n3A_695 : vector<1472x1xi32>
    %jit3A_697 = arith.constant 100 : i32
    %div3A_698 = vector.broadcast %jit3A_697 : i32 to vector<1472x1xi32>
    %div3A_699 = arith.divsi %select_n3A_661, %div3A_698 : vector<1472x1xi32>
    %sign3A_700 = arith.constant 0 : i32
    %sign3A_701 = vector.broadcast %sign3A_700 : i32 to vector<1472x1xi32>
    %sign3A_702 = arith.cmpi sgt, %select_n3A_661, %sign3A_701 : vector<1472x1xi32>
    %sign3A_703 = arith.extui %sign3A_702 : vector<1472x1xi1> to vector<1472x1xi32>
    %sign3A_704 = arith.constant 0 : i32
    %sign3A_705 = vector.broadcast %sign3A_704 : i32 to vector<1472x1xi32>
    %sign3A_706 = arith.cmpi slt, %select_n3A_661, %sign3A_705 : vector<1472x1xi32>
    %sign3A_707 = arith.extui %sign3A_706 : vector<1472x1xi1> to vector<1472x1xi32>
    %sign3A_708 = arith.subi %sign3A_703, %sign3A_707 : vector<1472x1xi32>
    %sign3A_709 = arith.constant 0 : i32
    %sign3A_710 = arith.cmpi sgt, %jit3A_697, %sign3A_709 : i32
    %sign3A_711 = arith.extui %sign3A_710 : i1 to i32
    %sign3A_712 = arith.constant 0 : i32
    %sign3A_713 = arith.cmpi slt, %jit3A_697, %sign3A_712 : i32
    %sign3A_714 = arith.extui %sign3A_713 : i1 to i32
    %sign3A_715 = arith.subi %sign3A_711, %sign3A_714 : i32
    %ne3A_716 = vector.broadcast %sign3A_715 : i32 to vector<1472x1xi32>
    %ne3A_717 = arith.cmpi ne, %sign3A_708, %ne3A_716 : vector<1472x1xi32>
    %rem3A_718 = vector.broadcast %jit3A_697 : i32 to vector<1472x1xi32>
    %rem3A_719 = arith.remsi %select_n3A_661, %rem3A_718 : vector<1472x1xi32>
    %ne3A_720 = arith.constant 0 : i32
    %ne3A_721 = vector.broadcast %ne3A_720 : i32 to vector<1472x1xi32>
    %ne3A_722 = arith.cmpi ne, %rem3A_719, %ne3A_721 : vector<1472x1xi32>
    %and3A_723 = arith.andi %ne3A_717, %ne3A_722 : vector<1472x1xi1>
    %sub3A_724 = arith.constant 1 : i32
    %sub3A_725 = vector.broadcast %sub3A_724 : i32 to vector<1472x1xi32>
    %sub3A_726 = arith.subi %div3A_699, %sub3A_725 : vector<1472x1xi32>
    %select_n3A_727 = arith.select %and3A_723, %sub3A_726, %div3A_699 : vector<1472x1xi1>, vector<1472x1xi32>
    %sub3A_728 = arith.subi %add3A_696, %select_n3A_727 : vector<1472x1xi32>
    %sub3A_729 = arith.subi %sub3A_534, %sub3A_728 : vector<1472x1xi32>
    %mul3A_730 = arith.constant 5 : i32
    %mul3A_731 = vector.broadcast %mul3A_730 : i32 to vector<1472x1xi32>
    %mul3A_732 = arith.muli %mul3A_731, %sub3A_729 : vector<1472x1xi32>
    %add3A_733 = arith.constant 2 : i32
    %add3A_734 = vector.broadcast %add3A_733 : i32 to vector<1472x1xi32>
    %add3A_735 = arith.addi %mul3A_732, %add3A_734 : vector<1472x1xi32>
    %jit3A_736 = arith.constant 153 : i32
    %div3A_737 = vector.broadcast %jit3A_736 : i32 to vector<1472x1xi32>
    %div3A_738 = arith.divsi %add3A_735, %div3A_737 : vector<1472x1xi32>
    %sign3A_739 = arith.constant 0 : i32
    %sign3A_740 = vector.broadcast %sign3A_739 : i32 to vector<1472x1xi32>
    %sign3A_741 = arith.cmpi sgt, %add3A_735, %sign3A_740 : vector<1472x1xi32>
    %sign3A_742 = arith.extui %sign3A_741 : vector<1472x1xi1> to vector<1472x1xi32>
    %sign3A_743 = arith.constant 0 : i32
    %sign3A_744 = vector.broadcast %sign3A_743 : i32 to vector<1472x1xi32>
    %sign3A_745 = arith.cmpi slt, %add3A_735, %sign3A_744 : vector<1472x1xi32>
    %sign3A_746 = arith.extui %sign3A_745 : vector<1472x1xi1> to vector<1472x1xi32>
    %sign3A_747 = arith.subi %sign3A_742, %sign3A_746 : vector<1472x1xi32>
    %sign3A_748 = arith.constant 0 : i32
    %sign3A_749 = arith.cmpi sgt, %jit3A_736, %sign3A_748 : i32
    %sign3A_750 = arith.extui %sign3A_749 : i1 to i32
    %sign3A_751 = arith.constant 0 : i32
    %sign3A_752 = arith.cmpi slt, %jit3A_736, %sign3A_751 : i32
    %sign3A_753 = arith.extui %sign3A_752 : i1 to i32
    %sign3A_754 = arith.subi %sign3A_750, %sign3A_753 : i32
    %ne3A_755 = vector.broadcast %sign3A_754 : i32 to vector<1472x1xi32>
    %ne3A_756 = arith.cmpi ne, %sign3A_747, %ne3A_755 : vector<1472x1xi32>
    %rem3A_757 = vector.broadcast %jit3A_736 : i32 to vector<1472x1xi32>
    %rem3A_758 = arith.remsi %add3A_735, %rem3A_757 : vector<1472x1xi32>
    %ne3A_759 = arith.constant 0 : i32
    %ne3A_760 = vector.broadcast %ne3A_759 : i32 to vector<1472x1xi32>
    %ne3A_761 = arith.cmpi ne, %rem3A_758, %ne3A_760 : vector<1472x1xi32>
    %and3A_762 = arith.andi %ne3A_756, %ne3A_761 : vector<1472x1xi1>
    %sub3A_763 = arith.constant 1 : i32
    %sub3A_764 = vector.broadcast %sub3A_763 : i32 to vector<1472x1xi32>
    %sub3A_765 = arith.subi %div3A_738, %sub3A_764 : vector<1472x1xi32>
    %select_n3A_766 = arith.select %and3A_762, %sub3A_765, %div3A_738 : vector<1472x1xi1>, vector<1472x1xi32>
    %lt3A_767 = arith.constant 10 : i32
    %lt3A_768 = vector.broadcast %lt3A_767 : i32 to vector<1472x1xi32>
    %lt3A_769 = arith.cmpi slt, %select_n3A_766, %lt3A_768 : vector<1472x1xi32>
    %jit3A_770 = arith.constant 3 : i32
    %jit3A_771 = arith.constant -9 : i32
    %broadcast_in_dim3A_772 = vector.broadcast %jit3A_770 : i32 to vector<1472x1xi32>
    %broadcast_in_dim3A_773 = vector.broadcast %jit3A_771 : i32 to vector<1472x1xi32>
    %select_n3A_774 = arith.select %lt3A_769, %broadcast_in_dim3A_772, %broadcast_in_dim3A_773 : vector<1472x1xi1>, vector<1472x1xi32>
    %add3A_775 = arith.addi %select_n3A_766, %select_n3A_774 : vector<1472x1xi32>
    %eq3A_776 = arith.constant 1 : i32
    %eq3A_777 = vector.broadcast %eq3A_776 : i32 to vector<1472x1xi32>
    %eq3A_778 = arith.cmpi eq, %add3A_307, %eq3A_777 : vector<1472x1xi32>
    %ne3A_779 = arith.cmpi ne, %add3A_775, %add3A_314 : vector<1472x1xi32>
    %jit3A_780 = arith.constant 3 : i32
    %eq3A_781 = arith.constant 0 : i32
    %eq3A_782 = arith.cmpi eq, %jit3A_780, %eq3A_781 : i32
    %jit3A_783 = arith.constant 1 : i32
    %select_n3A_784 = arith.select %eq3A_782, %jit3A_783, %jit3A_780 : i32
    %rem3A_785 = vector.broadcast %select_n3A_784 : i32 to vector<1472x1xi32>
    %rem3A_786 = arith.remsi %sub3A_465, %rem3A_785 : vector<1472x1xi32>
    %ne3A_787 = arith.constant 0 : i32
    %ne3A_788 = vector.broadcast %ne3A_787 : i32 to vector<1472x1xi32>
    %ne3A_789 = arith.cmpi ne, %rem3A_786, %ne3A_788 : vector<1472x1xi32>
    %lt3A_790 = arith.constant 0 : i32
    %lt3A_791 = vector.broadcast %lt3A_790 : i32 to vector<1472x1xi32>
    %lt3A_792 = arith.cmpi slt, %rem3A_786, %lt3A_791 : vector<1472x1xi32>
    %lt3A_793 = arith.constant 0 : i32
    %lt3A_794 = arith.cmpi slt, %select_n3A_784, %lt3A_793 : i32
    %ne3A_795 = vector.broadcast %lt3A_794 : i1 to vector<1472x1xi1>
    %ne3A_796 = vector.broadcast %ne3A_795 : vector<1472x1xi1> to vector<1472x1xi1>
    %ne3A_797 = arith.xori %lt3A_792, %ne3A_796 : vector<1472x1xi1>
    %and3A_798 = arith.andi %ne3A_797, %ne3A_789 : vector<1472x1xi1>
    %add3A_799 = vector.broadcast %select_n3A_784 : i32 to vector<1472x1xi32>
    %add3A_800 = arith.addi %rem3A_786, %add3A_799 : vector<1472x1xi32>
    %select_n3A_801 = arith.select %and3A_798, %add3A_800, %rem3A_786 : vector<1472x1xi1>, vector<1472x1xi32>
    %eq3A_802 = arith.constant 0 : i32
    %eq3A_803 = vector.broadcast %eq3A_802 : i32 to vector<1472x1xi32>
    %eq3A_804 = arith.cmpi eq, %select_n3A_801, %eq3A_803 : vector<1472x1xi32>
    %and3A_805 = arith.andi %eq3A_778, %eq3A_804 : vector<1472x1xi1>
    %jit3A_806 = arith.constant 3 : i32
    %eq3A_807 = arith.constant 0 : i32
    %eq3A_808 = arith.cmpi eq, %jit3A_806, %eq3A_807 : i32
    %jit3A_809 = arith.constant 1 : i32
    %select_n3A_810 = arith.select %eq3A_808, %jit3A_809, %jit3A_806 : i32
    %rem3A_811 = vector.broadcast %select_n3A_810 : i32 to vector<1472x1xi32>
    %rem3A_812 = arith.remsi %add3A_314, %rem3A_811 : vector<1472x1xi32>
    %ne3A_813 = arith.constant 0 : i32
    %ne3A_814 = vector.broadcast %ne3A_813 : i32 to vector<1472x1xi32>
    %ne3A_815 = arith.cmpi ne, %rem3A_812, %ne3A_814 : vector<1472x1xi32>
    %lt3A_816 = arith.constant 0 : i32
    %lt3A_817 = vector.broadcast %lt3A_816 : i32 to vector<1472x1xi32>
    %lt3A_818 = arith.cmpi slt, %rem3A_812, %lt3A_817 : vector<1472x1xi32>
    %lt3A_819 = arith.constant 0 : i32
    %lt3A_820 = arith.cmpi slt, %select_n3A_810, %lt3A_819 : i32
    %ne3A_821 = vector.broadcast %lt3A_820 : i1 to vector<1472x1xi1>
    %ne3A_822 = vector.broadcast %ne3A_821 : vector<1472x1xi1> to vector<1472x1xi1>
    %ne3A_823 = arith.xori %lt3A_818, %ne3A_822 : vector<1472x1xi1>
    %and3A_824 = arith.andi %ne3A_823, %ne3A_815 : vector<1472x1xi1>
    %add3A_825 = vector.broadcast %select_n3A_810 : i32 to vector<1472x1xi32>
    %add3A_826 = arith.addi %rem3A_812, %add3A_825 : vector<1472x1xi32>
    %select_n3A_827 = arith.select %and3A_824, %add3A_826, %rem3A_812 : vector<1472x1xi1>, vector<1472x1xi32>
    %eq3A_828 = arith.constant 0 : i32
    %eq3A_829 = vector.broadcast %eq3A_828 : i32 to vector<1472x1xi32>
    %eq3A_830 = arith.cmpi eq, %select_n3A_827, %eq3A_829 : vector<1472x1xi32>
    %and3A_831 = arith.andi %ne3A_779, %eq3A_830 : vector<1472x1xi1>
    %eq3A_832 = arith.constant 1 : i32
    %eq3A_833 = vector.broadcast %eq3A_832 : i32 to vector<1472x1xi32>
    %eq3A_834 = arith.cmpi eq, %add3A_314, %eq3A_833 : vector<1472x1xi32>
    %and3A_835 = arith.andi %eq3A_778, %eq3A_834 : vector<1472x1xi1>
    %eq3A_836 = arith.constant 12 : i32
    %eq3A_837 = vector.broadcast %eq3A_836 : i32 to vector<1472x1xi32>
    %eq3A_838 = arith.cmpi eq, %add3A_314, %eq3A_837 : vector<1472x1xi32>
    %eq3A_839 = arith.constant 31 : i32
    %eq3A_840 = vector.broadcast %eq3A_839 : i32 to vector<1472x1xi32>
    %eq3A_841 = arith.cmpi eq, %add3A_307, %eq3A_840 : vector<1472x1xi32>
    %and3A_842 = arith.andi %eq3A_838, %eq3A_841 : vector<1472x1xi1>
    %broadcast_in_dim3A_843 = arith.constant 0.000000e+00 : f32
    %broadcast_in_dim3A_844 = vector.broadcast %broadcast_in_dim3A_843 : f32 to vector<1472x11xf32>
    %eq3A_845 = arith.constant 0 : i32
    %eq3A_846 = vector.broadcast %eq3A_845 : i32 to vector<1472x1xi32>
    %eq3A_847 = arith.cmpi eq, %select_n3A_341, %eq3A_846 : vector<1472x1xi32>
    %jit3A_848 = arith.constant 1.000000e+00 : f32
    %jit3A_849 = arith.constant 0.000000e+00 : f32
    %broadcast_in_dim3A_850 = vector.broadcast %jit3A_848 : f32 to vector<1472x1xf32>
    %broadcast_in_dim3A_851 = vector.broadcast %jit3A_849 : f32 to vector<1472x1xf32>
    %select_n3A_852 = arith.select %eq3A_847, %broadcast_in_dim3A_850, %broadcast_in_dim3A_851 : vector<1472x1xi1>, vector<1472x1xf32>
    %get3A = arith.constant 0 : index
    %get3A_853 = arith.constant 0 : index
    %get3A_854 = vector.load %arg0[%get3A, %get3A_853] : memref<7x11xf32, #tpu.memory_space<vmem>>, vector<1x11xf32>
    %mul3A_855 = vector.broadcast %select_n3A_852 : vector<1472x1xf32> to vector<1472x11xf32>
    %mul3A_856 = vector.broadcast %get3A_854 : vector<1x11xf32> to vector<1472x11xf32>
    %mul3A_857 = arith.mulf %mul3A_855, %mul3A_856 : vector<1472x11xf32>
    %add3A_858 = arith.addf %broadcast_in_dim3A_844, %mul3A_857 : vector<1472x11xf32>
    %eq3A_859 = arith.constant 1 : i32
    %eq3A_860 = vector.broadcast %eq3A_859 : i32 to vector<1472x1xi32>
    %eq3A_861 = arith.cmpi eq, %select_n3A_341, %eq3A_860 : vector<1472x1xi32>
    %jit3A_862 = arith.constant 1.000000e+00 : f32
    %jit3A_863 = arith.constant 0.000000e+00 : f32
    %broadcast_in_dim3A_864 = vector.broadcast %jit3A_862 : f32 to vector<1472x1xf32>
    %broadcast_in_dim3A_865 = vector.broadcast %jit3A_863 : f32 to vector<1472x1xf32>
    %select_n3A_866 = arith.select %eq3A_861, %broadcast_in_dim3A_864, %broadcast_in_dim3A_865 : vector<1472x1xi1>, vector<1472x1xf32>
    %get3A_867 = arith.constant 1 : index
    %get3A_868 = arith.constant 0 : index
    %get3A_869 = vector.load %arg0[%get3A_867, %get3A_868] : memref<7x11xf32, #tpu.memory_space<vmem>>, vector<1x11xf32>
    %mul3A_870 = vector.broadcast %select_n3A_866 : vector<1472x1xf32> to vector<1472x11xf32>
    %mul3A_871 = vector.broadcast %get3A_869 : vector<1x11xf32> to vector<1472x11xf32>
    %mul3A_872 = arith.mulf %mul3A_870, %mul3A_871 : vector<1472x11xf32>
    %add3A_873 = arith.addf %add3A_858, %mul3A_872 : vector<1472x11xf32>
    %eq3A_874 = arith.constant 2 : i32
    %eq3A_875 = vector.broadcast %eq3A_874 : i32 to vector<1472x1xi32>
    %eq3A_876 = arith.cmpi eq, %select_n3A_341, %eq3A_875 : vector<1472x1xi32>
    %jit3A_877 = arith.constant 1.000000e+00 : f32
    %jit3A_878 = arith.constant 0.000000e+00 : f32
    %broadcast_in_dim3A_879 = vector.broadcast %jit3A_877 : f32 to vector<1472x1xf32>
    %broadcast_in_dim3A_880 = vector.broadcast %jit3A_878 : f32 to vector<1472x1xf32>
    %select_n3A_881 = arith.select %eq3A_876, %broadcast_in_dim3A_879, %broadcast_in_dim3A_880 : vector<1472x1xi1>, vector<1472x1xf32>
    %get3A_882 = arith.constant 2 : index
    %get3A_883 = arith.constant 0 : index
    %get3A_884 = vector.load %arg0[%get3A_882, %get3A_883] : memref<7x11xf32, #tpu.memory_space<vmem>>, vector<1x11xf32>
    %mul3A_885 = vector.broadcast %select_n3A_881 : vector<1472x1xf32> to vector<1472x11xf32>
    %mul3A_886 = vector.broadcast %get3A_884 : vector<1x11xf32> to vector<1472x11xf32>
    %mul3A_887 = arith.mulf %mul3A_885, %mul3A_886 : vector<1472x11xf32>
    %add3A_888 = arith.addf %add3A_873, %mul3A_887 : vector<1472x11xf32>
    %eq3A_889 = arith.constant 3 : i32
    %eq3A_890 = vector.broadcast %eq3A_889 : i32 to vector<1472x1xi32>
    %eq3A_891 = arith.cmpi eq, %select_n3A_341, %eq3A_890 : vector<1472x1xi32>
    %jit3A_892 = arith.constant 1.000000e+00 : f32
    %jit3A_893 = arith.constant 0.000000e+00 : f32
    %broadcast_in_dim3A_894 = vector.broadcast %jit3A_892 : f32 to vector<1472x1xf32>
    %broadcast_in_dim3A_895 = vector.broadcast %jit3A_893 : f32 to vector<1472x1xf32>
    %select_n3A_896 = arith.select %eq3A_891, %broadcast_in_dim3A_894, %broadcast_in_dim3A_895 : vector<1472x1xi1>, vector<1472x1xf32>
    %get3A_897 = arith.constant 3 : index
    %get3A_898 = arith.constant 0 : index
    %get3A_899 = vector.load %arg0[%get3A_897, %get3A_898] : memref<7x11xf32, #tpu.memory_space<vmem>>, vector<1x11xf32>
    %mul3A_900 = vector.broadcast %select_n3A_896 : vector<1472x1xf32> to vector<1472x11xf32>
    %mul3A_901 = vector.broadcast %get3A_899 : vector<1x11xf32> to vector<1472x11xf32>
    %mul3A_902 = arith.mulf %mul3A_900, %mul3A_901 : vector<1472x11xf32>
    %add3A_903 = arith.addf %add3A_888, %mul3A_902 : vector<1472x11xf32>
    %eq3A_904 = arith.constant 4 : i32
    %eq3A_905 = vector.broadcast %eq3A_904 : i32 to vector<1472x1xi32>
    %eq3A_906 = arith.cmpi eq, %select_n3A_341, %eq3A_905 : vector<1472x1xi32>
    %jit3A_907 = arith.constant 1.000000e+00 : f32
    %jit3A_908 = arith.constant 0.000000e+00 : f32
    %broadcast_in_dim3A_909 = vector.broadcast %jit3A_907 : f32 to vector<1472x1xf32>
    %broadcast_in_dim3A_910 = vector.broadcast %jit3A_908 : f32 to vector<1472x1xf32>
    %select_n3A_911 = arith.select %eq3A_906, %broadcast_in_dim3A_909, %broadcast_in_dim3A_910 : vector<1472x1xi1>, vector<1472x1xf32>
    %get3A_912 = arith.constant 4 : index
    %get3A_913 = arith.constant 0 : index
    %get3A_914 = vector.load %arg0[%get3A_912, %get3A_913] : memref<7x11xf32, #tpu.memory_space<vmem>>, vector<1x11xf32>
    %mul3A_915 = vector.broadcast %select_n3A_911 : vector<1472x1xf32> to vector<1472x11xf32>
    %mul3A_916 = vector.broadcast %get3A_914 : vector<1x11xf32> to vector<1472x11xf32>
    %mul3A_917 = arith.mulf %mul3A_915, %mul3A_916 : vector<1472x11xf32>
    %add3A_918 = arith.addf %add3A_903, %mul3A_917 : vector<1472x11xf32>
    %eq3A_919 = arith.constant 5 : i32
    %eq3A_920 = vector.broadcast %eq3A_919 : i32 to vector<1472x1xi32>
    %eq3A_921 = arith.cmpi eq, %select_n3A_341, %eq3A_920 : vector<1472x1xi32>
    %jit3A_922 = arith.constant 1.000000e+00 : f32
    %jit3A_923 = arith.constant 0.000000e+00 : f32
    %broadcast_in_dim3A_924 = vector.broadcast %jit3A_922 : f32 to vector<1472x1xf32>
    %broadcast_in_dim3A_925 = vector.broadcast %jit3A_923 : f32 to vector<1472x1xf32>
    %select_n3A_926 = arith.select %eq3A_921, %broadcast_in_dim3A_924, %broadcast_in_dim3A_925 : vector<1472x1xi1>, vector<1472x1xf32>
    %get3A_927 = arith.constant 5 : index
    %get3A_928 = arith.constant 0 : index
    %get3A_929 = vector.load %arg0[%get3A_927, %get3A_928] : memref<7x11xf32, #tpu.memory_space<vmem>>, vector<1x11xf32>
    %mul3A_930 = vector.broadcast %select_n3A_926 : vector<1472x1xf32> to vector<1472x11xf32>
    %mul3A_931 = vector.broadcast %get3A_929 : vector<1x11xf32> to vector<1472x11xf32>
    %mul3A_932 = arith.mulf %mul3A_930, %mul3A_931 : vector<1472x11xf32>
    %add3A_933 = arith.addf %add3A_918, %mul3A_932 : vector<1472x11xf32>
    %eq3A_934 = arith.constant 6 : i32
    %eq3A_935 = vector.broadcast %eq3A_934 : i32 to vector<1472x1xi32>
    %eq3A_936 = arith.cmpi eq, %select_n3A_341, %eq3A_935 : vector<1472x1xi32>
    %jit3A_937 = arith.constant 1.000000e+00 : f32
    %jit3A_938 = arith.constant 0.000000e+00 : f32
    %broadcast_in_dim3A_939 = vector.broadcast %jit3A_937 : f32 to vector<1472x1xf32>
    %broadcast_in_dim3A_940 = vector.broadcast %jit3A_938 : f32 to vector<1472x1xf32>
    %select_n3A_941 = arith.select %eq3A_936, %broadcast_in_dim3A_939, %broadcast_in_dim3A_940 : vector<1472x1xi1>, vector<1472x1xf32>
    %get3A_942 = arith.constant 6 : index
    %get3A_943 = arith.constant 0 : index
    %get3A_944 = vector.load %arg0[%get3A_942, %get3A_943] : memref<7x11xf32, #tpu.memory_space<vmem>>, vector<1x11xf32>
    %mul3A_945 = vector.broadcast %select_n3A_941 : vector<1472x1xf32> to vector<1472x11xf32>
    %mul3A_946 = vector.broadcast %get3A_944 : vector<1x11xf32> to vector<1472x11xf32>
    %mul3A_947 = arith.mulf %mul3A_945, %mul3A_946 : vector<1472x11xf32>
    %add3A_948 = arith.addf %add3A_933, %mul3A_947 : vector<1472x11xf32>
    %get3A_949 = arith.constant 0 : index
    %get3A_950 = arith.constant 0 : index
    %get3A_951 = vector.load %arg3[%get3A_949, %get3A_950] : memref<1x11xf32, #tpu.memory_space<vmem>>, vector<1x11xf32>
    %mul3A_952 = vector.broadcast %convert_element_type3A_462 : vector<1472x1xf32> to vector<1472x11xf32>
    %mul3A_953 = vector.broadcast %get3A_951 : vector<1x11xf32> to vector<1472x11xf32>
    %mul3A_954 = arith.mulf %mul3A_952, %mul3A_953 : vector<1472x11xf32>
    %get3A_955 = arith.constant 0 : index
    %get3A_956 = arith.constant 0 : index
    %get3A_957 = vector.load %arg4[%get3A_955, %get3A_956] : memref<1x11xf32, #tpu.memory_space<vmem>>, vector<1x11xf32>
    %add3A_958 = vector.broadcast %get3A_957 : vector<1x11xf32> to vector<1472x11xf32>
    %add3A_959 = arith.addf %mul3A_954, %add3A_958 : vector<1472x11xf32>
    %get3A_960 = arith.constant 0 : index
    %get3A_961 = arith.constant 0 : index
    %get3A_962 = vector.load %arg5[%get3A_960, %get3A_961] : memref<1x11xf32, #tpu.memory_space<vmem>>, vector<1x11xf32>
    %mul3A_963 = vector.broadcast %convert_element_type3A_461 : vector<1472x1xf32> to vector<1472x11xf32>
    %mul3A_964 = vector.broadcast %get3A_962 : vector<1x11xf32> to vector<1472x11xf32>
    %mul3A_965 = arith.mulf %mul3A_963, %mul3A_964 : vector<1472x11xf32>
    %get3A_966 = arith.constant 0 : index
    %get3A_967 = arith.constant 0 : index
    %get3A_968 = vector.load %arg6[%get3A_966, %get3A_967] : memref<1x11xf32, #tpu.memory_space<vmem>>, vector<1x11xf32>
    %add3A_969 = vector.broadcast %get3A_968 : vector<1x11xf32> to vector<1472x11xf32>
    %add3A_970 = arith.addf %mul3A_965, %add3A_969 : vector<1472x11xf32>
    %broadcast_in_dim3A_971 = arith.constant 0.000000e+00 : f32
    %broadcast_in_dim3A_972 = vector.broadcast %broadcast_in_dim3A_971 : f32 to vector<1472x11xf32>
    %eq3A_973 = arith.constant 0 : i32
    %eq3A_974 = vector.broadcast %eq3A_973 : i32 to vector<1472x1xi32>
    %eq3A_975 = arith.cmpi eq, %sub3A_465, %eq3A_974 : vector<1472x1xi32>
    %jit3A_976 = arith.constant 1.000000e+00 : f32
    %jit3A_977 = arith.constant 0.000000e+00 : f32
    %broadcast_in_dim3A_978 = vector.broadcast %jit3A_976 : f32 to vector<1472x1xf32>
    %broadcast_in_dim3A_979 = vector.broadcast %jit3A_977 : f32 to vector<1472x1xf32>
    %select_n3A_980 = arith.select %eq3A_975, %broadcast_in_dim3A_978, %broadcast_in_dim3A_979 : vector<1472x1xi1>, vector<1472x1xf32>
    %get3A_981 = arith.constant 0 : index
    %get3A_982 = arith.constant 0 : index
    %get3A_983 = vector.load %arg1[%get3A_981, %get3A_982] : memref<12x11xf32, #tpu.memory_space<vmem>>, vector<1x11xf32>
    %mul3A_984 = vector.broadcast %select_n3A_980 : vector<1472x1xf32> to vector<1472x11xf32>
    %mul3A_985 = vector.broadcast %get3A_983 : vector<1x11xf32> to vector<1472x11xf32>
    %mul3A_986 = arith.mulf %mul3A_984, %mul3A_985 : vector<1472x11xf32>
    %add3A_987 = arith.addf %broadcast_in_dim3A_972, %mul3A_986 : vector<1472x11xf32>
    %eq3A_988 = arith.constant 1 : i32
    %eq3A_989 = vector.broadcast %eq3A_988 : i32 to vector<1472x1xi32>
    %eq3A_990 = arith.cmpi eq, %sub3A_465, %eq3A_989 : vector<1472x1xi32>
    %jit3A_991 = arith.constant 1.000000e+00 : f32
    %jit3A_992 = arith.constant 0.000000e+00 : f32
    %broadcast_in_dim3A_993 = vector.broadcast %jit3A_991 : f32 to vector<1472x1xf32>
    %broadcast_in_dim3A_994 = vector.broadcast %jit3A_992 : f32 to vector<1472x1xf32>
    %select_n3A_995 = arith.select %eq3A_990, %broadcast_in_dim3A_993, %broadcast_in_dim3A_994 : vector<1472x1xi1>, vector<1472x1xf32>
    %get3A_996 = arith.constant 1 : index
    %get3A_997 = arith.constant 0 : index
    %get3A_998 = vector.load %arg1[%get3A_996, %get3A_997] : memref<12x11xf32, #tpu.memory_space<vmem>>, vector<1x11xf32>
    %mul3A_999 = vector.broadcast %select_n3A_995 : vector<1472x1xf32> to vector<1472x11xf32>
    %mul3A_1000 = vector.broadcast %get3A_998 : vector<1x11xf32> to vector<1472x11xf32>
    %mul3A_1001 = arith.mulf %mul3A_999, %mul3A_1000 : vector<1472x11xf32>
    %add3A_1002 = arith.addf %add3A_987, %mul3A_1001 : vector<1472x11xf32>
    %eq3A_1003 = arith.constant 2 : i32
    %eq3A_1004 = vector.broadcast %eq3A_1003 : i32 to vector<1472x1xi32>
    %eq3A_1005 = arith.cmpi eq, %sub3A_465, %eq3A_1004 : vector<1472x1xi32>
    %jit3A_1006 = arith.constant 1.000000e+00 : f32
    %jit3A_1007 = arith.constant 0.000000e+00 : f32
    %broadcast_in_dim3A_1008 = vector.broadcast %jit3A_1006 : f32 to vector<1472x1xf32>
    %broadcast_in_dim3A_1009 = vector.broadcast %jit3A_1007 : f32 to vector<1472x1xf32>
    %select_n3A_1010 = arith.select %eq3A_1005, %broadcast_in_dim3A_1008, %broadcast_in_dim3A_1009 : vector<1472x1xi1>, vector<1472x1xf32>
    %get3A_1011 = arith.constant 2 : index
    %get3A_1012 = arith.constant 0 : index
    %get3A_1013 = vector.load %arg1[%get3A_1011, %get3A_1012] : memref<12x11xf32, #tpu.memory_space<vmem>>, vector<1x11xf32>
    %mul3A_1014 = vector.broadcast %select_n3A_1010 : vector<1472x1xf32> to vector<1472x11xf32>
    %mul3A_1015 = vector.broadcast %get3A_1013 : vector<1x11xf32> to vector<1472x11xf32>
    %mul3A_1016 = arith.mulf %mul3A_1014, %mul3A_1015 : vector<1472x11xf32>
    %add3A_1017 = arith.addf %add3A_1002, %mul3A_1016 : vector<1472x11xf32>
    %eq3A_1018 = arith.constant 3 : i32
    %eq3A_1019 = vector.broadcast %eq3A_1018 : i32 to vector<1472x1xi32>
    %eq3A_1020 = arith.cmpi eq, %sub3A_465, %eq3A_1019 : vector<1472x1xi32>
    %jit3A_1021 = arith.constant 1.000000e+00 : f32
    %jit3A_1022 = arith.constant 0.000000e+00 : f32
    %broadcast_in_dim3A_1023 = vector.broadcast %jit3A_1021 : f32 to vector<1472x1xf32>
    %broadcast_in_dim3A_1024 = vector.broadcast %jit3A_1022 : f32 to vector<1472x1xf32>
    %select_n3A_1025 = arith.select %eq3A_1020, %broadcast_in_dim3A_1023, %broadcast_in_dim3A_1024 : vector<1472x1xi1>, vector<1472x1xf32>
    %get3A_1026 = arith.constant 3 : index
    %get3A_1027 = arith.constant 0 : index
    %get3A_1028 = vector.load %arg1[%get3A_1026, %get3A_1027] : memref<12x11xf32, #tpu.memory_space<vmem>>, vector<1x11xf32>
    %mul3A_1029 = vector.broadcast %select_n3A_1025 : vector<1472x1xf32> to vector<1472x11xf32>
    %mul3A_1030 = vector.broadcast %get3A_1028 : vector<1x11xf32> to vector<1472x11xf32>
    %mul3A_1031 = arith.mulf %mul3A_1029, %mul3A_1030 : vector<1472x11xf32>
    %add3A_1032 = arith.addf %add3A_1017, %mul3A_1031 : vector<1472x11xf32>
    %eq3A_1033 = arith.constant 4 : i32
    %eq3A_1034 = vector.broadcast %eq3A_1033 : i32 to vector<1472x1xi32>
    %eq3A_1035 = arith.cmpi eq, %sub3A_465, %eq3A_1034 : vector<1472x1xi32>
    %jit3A_1036 = arith.constant 1.000000e+00 : f32
    %jit3A_1037 = arith.constant 0.000000e+00 : f32
    %broadcast_in_dim3A_1038 = vector.broadcast %jit3A_1036 : f32 to vector<1472x1xf32>
    %broadcast_in_dim3A_1039 = vector.broadcast %jit3A_1037 : f32 to vector<1472x1xf32>
    %select_n3A_1040 = arith.select %eq3A_1035, %broadcast_in_dim3A_1038, %broadcast_in_dim3A_1039 : vector<1472x1xi1>, vector<1472x1xf32>
    %get3A_1041 = arith.constant 4 : index
    %get3A_1042 = arith.constant 0 : index
    %get3A_1043 = vector.load %arg1[%get3A_1041, %get3A_1042] : memref<12x11xf32, #tpu.memory_space<vmem>>, vector<1x11xf32>
    %mul3A_1044 = vector.broadcast %select_n3A_1040 : vector<1472x1xf32> to vector<1472x11xf32>
    %mul3A_1045 = vector.broadcast %get3A_1043 : vector<1x11xf32> to vector<1472x11xf32>
    %mul3A_1046 = arith.mulf %mul3A_1044, %mul3A_1045 : vector<1472x11xf32>
    %add3A_1047 = arith.addf %add3A_1032, %mul3A_1046 : vector<1472x11xf32>
    %eq3A_1048 = arith.constant 5 : i32
    %eq3A_1049 = vector.broadcast %eq3A_1048 : i32 to vector<1472x1xi32>
    %eq3A_1050 = arith.cmpi eq, %sub3A_465, %eq3A_1049 : vector<1472x1xi32>
    %jit3A_1051 = arith.constant 1.000000e+00 : f32
    %jit3A_1052 = arith.constant 0.000000e+00 : f32
    %broadcast_in_dim3A_1053 = vector.broadcast %jit3A_1051 : f32 to vector<1472x1xf32>
    %broadcast_in_dim3A_1054 = vector.broadcast %jit3A_1052 : f32 to vector<1472x1xf32>
    %select_n3A_1055 = arith.select %eq3A_1050, %broadcast_in_dim3A_1053, %broadcast_in_dim3A_1054 : vector<1472x1xi1>, vector<1472x1xf32>
    %get3A_1056 = arith.constant 5 : index
    %get3A_1057 = arith.constant 0 : index
    %get3A_1058 = vector.load %arg1[%get3A_1056, %get3A_1057] : memref<12x11xf32, #tpu.memory_space<vmem>>, vector<1x11xf32>
    %mul3A_1059 = vector.broadcast %select_n3A_1055 : vector<1472x1xf32> to vector<1472x11xf32>
    %mul3A_1060 = vector.broadcast %get3A_1058 : vector<1x11xf32> to vector<1472x11xf32>
    %mul3A_1061 = arith.mulf %mul3A_1059, %mul3A_1060 : vector<1472x11xf32>
    %add3A_1062 = arith.addf %add3A_1047, %mul3A_1061 : vector<1472x11xf32>
    %eq3A_1063 = arith.constant 6 : i32
    %eq3A_1064 = vector.broadcast %eq3A_1063 : i32 to vector<1472x1xi32>
    %eq3A_1065 = arith.cmpi eq, %sub3A_465, %eq3A_1064 : vector<1472x1xi32>
    %jit3A_1066 = arith.constant 1.000000e+00 : f32
    %jit3A_1067 = arith.constant 0.000000e+00 : f32
    %broadcast_in_dim3A_1068 = vector.broadcast %jit3A_1066 : f32 to vector<1472x1xf32>
    %broadcast_in_dim3A_1069 = vector.broadcast %jit3A_1067 : f32 to vector<1472x1xf32>
    %select_n3A_1070 = arith.select %eq3A_1065, %broadcast_in_dim3A_1068, %broadcast_in_dim3A_1069 : vector<1472x1xi1>, vector<1472x1xf32>
    %get3A_1071 = arith.constant 6 : index
    %get3A_1072 = arith.constant 0 : index
    %get3A_1073 = vector.load %arg1[%get3A_1071, %get3A_1072] : memref<12x11xf32, #tpu.memory_space<vmem>>, vector<1x11xf32>
    %mul3A_1074 = vector.broadcast %select_n3A_1070 : vector<1472x1xf32> to vector<1472x11xf32>
    %mul3A_1075 = vector.broadcast %get3A_1073 : vector<1x11xf32> to vector<1472x11xf32>
    %mul3A_1076 = arith.mulf %mul3A_1074, %mul3A_1075 : vector<1472x11xf32>
    %add3A_1077 = arith.addf %add3A_1062, %mul3A_1076 : vector<1472x11xf32>
    %eq3A_1078 = arith.constant 7 : i32
    %eq3A_1079 = vector.broadcast %eq3A_1078 : i32 to vector<1472x1xi32>
    %eq3A_1080 = arith.cmpi eq, %sub3A_465, %eq3A_1079 : vector<1472x1xi32>
    %jit3A_1081 = arith.constant 1.000000e+00 : f32
    %jit3A_1082 = arith.constant 0.000000e+00 : f32
    %broadcast_in_dim3A_1083 = vector.broadcast %jit3A_1081 : f32 to vector<1472x1xf32>
    %broadcast_in_dim3A_1084 = vector.broadcast %jit3A_1082 : f32 to vector<1472x1xf32>
    %select_n3A_1085 = arith.select %eq3A_1080, %broadcast_in_dim3A_1083, %broadcast_in_dim3A_1084 : vector<1472x1xi1>, vector<1472x1xf32>
    %get3A_1086 = arith.constant 7 : index
    %get3A_1087 = arith.constant 0 : index
    %get3A_1088 = vector.load %arg1[%get3A_1086, %get3A_1087] : memref<12x11xf32, #tpu.memory_space<vmem>>, vector<1x11xf32>
    %mul3A_1089 = vector.broadcast %select_n3A_1085 : vector<1472x1xf32> to vector<1472x11xf32>
    %mul3A_1090 = vector.broadcast %get3A_1088 : vector<1x11xf32> to vector<1472x11xf32>
    %mul3A_1091 = arith.mulf %mul3A_1089, %mul3A_1090 : vector<1472x11xf32>
    %add3A_1092 = arith.addf %add3A_1077, %mul3A_1091 : vector<1472x11xf32>
    %eq3A_1093 = arith.constant 8 : i32
    %eq3A_1094 = vector.broadcast %eq3A_1093 : i32 to vector<1472x1xi32>
    %eq3A_1095 = arith.cmpi eq, %sub3A_465, %eq3A_1094 : vector<1472x1xi32>
    %jit3A_1096 = arith.constant 1.000000e+00 : f32
    %jit3A_1097 = arith.constant 0.000000e+00 : f32
    %broadcast_in_dim3A_1098 = vector.broadcast %jit3A_1096 : f32 to vector<1472x1xf32>
    %broadcast_in_dim3A_1099 = vector.broadcast %jit3A_1097 : f32 to vector<1472x1xf32>
    %select_n3A_1100 = arith.select %eq3A_1095, %broadcast_in_dim3A_1098, %broadcast_in_dim3A_1099 : vector<1472x1xi1>, vector<1472x1xf32>
    %get3A_1101 = arith.constant 8 : index
    %get3A_1102 = arith.constant 0 : index
    %get3A_1103 = vector.load %arg1[%get3A_1101, %get3A_1102] : memref<12x11xf32, #tpu.memory_space<vmem>>, vector<1x11xf32>
    %mul3A_1104 = vector.broadcast %select_n3A_1100 : vector<1472x1xf32> to vector<1472x11xf32>
    %mul3A_1105 = vector.broadcast %get3A_1103 : vector<1x11xf32> to vector<1472x11xf32>
    %mul3A_1106 = arith.mulf %mul3A_1104, %mul3A_1105 : vector<1472x11xf32>
    %add3A_1107 = arith.addf %add3A_1092, %mul3A_1106 : vector<1472x11xf32>
    %eq3A_1108 = arith.constant 9 : i32
    %eq3A_1109 = vector.broadcast %eq3A_1108 : i32 to vector<1472x1xi32>
    %eq3A_1110 = arith.cmpi eq, %sub3A_465, %eq3A_1109 : vector<1472x1xi32>
    %jit3A_1111 = arith.constant 1.000000e+00 : f32
    %jit3A_1112 = arith.constant 0.000000e+00 : f32
    %broadcast_in_dim3A_1113 = vector.broadcast %jit3A_1111 : f32 to vector<1472x1xf32>
    %broadcast_in_dim3A_1114 = vector.broadcast %jit3A_1112 : f32 to vector<1472x1xf32>
    %select_n3A_1115 = arith.select %eq3A_1110, %broadcast_in_dim3A_1113, %broadcast_in_dim3A_1114 : vector<1472x1xi1>, vector<1472x1xf32>
    %get3A_1116 = arith.constant 9 : index
    %get3A_1117 = arith.constant 0 : index
    %get3A_1118 = vector.load %arg1[%get3A_1116, %get3A_1117] : memref<12x11xf32, #tpu.memory_space<vmem>>, vector<1x11xf32>
    %mul3A_1119 = vector.broadcast %select_n3A_1115 : vector<1472x1xf32> to vector<1472x11xf32>
    %mul3A_1120 = vector.broadcast %get3A_1118 : vector<1x11xf32> to vector<1472x11xf32>
    %mul3A_1121 = arith.mulf %mul3A_1119, %mul3A_1120 : vector<1472x11xf32>
    %add3A_1122 = arith.addf %add3A_1107, %mul3A_1121 : vector<1472x11xf32>
    %eq3A_1123 = arith.constant 10 : i32
    %eq3A_1124 = vector.broadcast %eq3A_1123 : i32 to vector<1472x1xi32>
    %eq3A_1125 = arith.cmpi eq, %sub3A_465, %eq3A_1124 : vector<1472x1xi32>
    %jit3A_1126 = arith.constant 1.000000e+00 : f32
    %jit3A_1127 = arith.constant 0.000000e+00 : f32
    %broadcast_in_dim3A_1128 = vector.broadcast %jit3A_1126 : f32 to vector<1472x1xf32>
    %broadcast_in_dim3A_1129 = vector.broadcast %jit3A_1127 : f32 to vector<1472x1xf32>
    %select_n3A_1130 = arith.select %eq3A_1125, %broadcast_in_dim3A_1128, %broadcast_in_dim3A_1129 : vector<1472x1xi1>, vector<1472x1xf32>
    %get3A_1131 = arith.constant 10 : index
    %get3A_1132 = arith.constant 0 : index
    %get3A_1133 = vector.load %arg1[%get3A_1131, %get3A_1132] : memref<12x11xf32, #tpu.memory_space<vmem>>, vector<1x11xf32>
    %mul3A_1134 = vector.broadcast %select_n3A_1130 : vector<1472x1xf32> to vector<1472x11xf32>
    %mul3A_1135 = vector.broadcast %get3A_1133 : vector<1x11xf32> to vector<1472x11xf32>
    %mul3A_1136 = arith.mulf %mul3A_1134, %mul3A_1135 : vector<1472x11xf32>
    %add3A_1137 = arith.addf %add3A_1122, %mul3A_1136 : vector<1472x11xf32>
    %eq3A_1138 = arith.constant 11 : i32
    %eq3A_1139 = vector.broadcast %eq3A_1138 : i32 to vector<1472x1xi32>
    %eq3A_1140 = arith.cmpi eq, %sub3A_465, %eq3A_1139 : vector<1472x1xi32>
    %jit3A_1141 = arith.constant 1.000000e+00 : f32
    %jit3A_1142 = arith.constant 0.000000e+00 : f32
    %broadcast_in_dim3A_1143 = vector.broadcast %jit3A_1141 : f32 to vector<1472x1xf32>
    %broadcast_in_dim3A_1144 = vector.broadcast %jit3A_1142 : f32 to vector<1472x1xf32>
    %select_n3A_1145 = arith.select %eq3A_1140, %broadcast_in_dim3A_1143, %broadcast_in_dim3A_1144 : vector<1472x1xi1>, vector<1472x1xf32>
    %get3A_1146 = arith.constant 11 : index
    %get3A_1147 = arith.constant 0 : index
    %get3A_1148 = vector.load %arg1[%get3A_1146, %get3A_1147] : memref<12x11xf32, #tpu.memory_space<vmem>>, vector<1x11xf32>
    %mul3A_1149 = vector.broadcast %select_n3A_1145 : vector<1472x1xf32> to vector<1472x11xf32>
    %mul3A_1150 = vector.broadcast %get3A_1148 : vector<1x11xf32> to vector<1472x11xf32>
    %mul3A_1151 = arith.mulf %mul3A_1149, %mul3A_1150 : vector<1472x11xf32>
    %add3A_1152 = arith.addf %add3A_1137, %mul3A_1151 : vector<1472x11xf32>
    %broadcast_in_dim3A_1153 = arith.constant 0.000000e+00 : f32
    %broadcast_in_dim3A_1154 = vector.broadcast %broadcast_in_dim3A_1153 : f32 to vector<1472x11xf32>
    %eq3A_1155 = arith.constant 0 : i32
    %eq3A_1156 = vector.broadcast %eq3A_1155 : i32 to vector<1472x1xi32>
    %eq3A_1157 = arith.cmpi eq, %select_n3A_496, %eq3A_1156 : vector<1472x1xi32>
    %jit3A_1158 = arith.constant 1.000000e+00 : f32
    %jit3A_1159 = arith.constant 0.000000e+00 : f32
    %broadcast_in_dim3A_1160 = vector.broadcast %jit3A_1158 : f32 to vector<1472x1xf32>
    %broadcast_in_dim3A_1161 = vector.broadcast %jit3A_1159 : f32 to vector<1472x1xf32>
    %select_n3A_1162 = arith.select %eq3A_1157, %broadcast_in_dim3A_1160, %broadcast_in_dim3A_1161 : vector<1472x1xi1>, vector<1472x1xf32>
    %get3A_1163 = arith.constant 0 : index
    %get3A_1164 = arith.constant 0 : index
    %get3A_1165 = vector.load %arg2[%get3A_1163, %get3A_1164] : memref<4x11xf32, #tpu.memory_space<vmem>>, vector<1x11xf32>
    %mul3A_1166 = vector.broadcast %select_n3A_1162 : vector<1472x1xf32> to vector<1472x11xf32>
    %mul3A_1167 = vector.broadcast %get3A_1165 : vector<1x11xf32> to vector<1472x11xf32>
    %mul3A_1168 = arith.mulf %mul3A_1166, %mul3A_1167 : vector<1472x11xf32>
    %add3A_1169 = arith.addf %broadcast_in_dim3A_1154, %mul3A_1168 : vector<1472x11xf32>
    %eq3A_1170 = arith.constant 1 : i32
    %eq3A_1171 = vector.broadcast %eq3A_1170 : i32 to vector<1472x1xi32>
    %eq3A_1172 = arith.cmpi eq, %select_n3A_496, %eq3A_1171 : vector<1472x1xi32>
    %jit3A_1173 = arith.constant 1.000000e+00 : f32
    %jit3A_1174 = arith.constant 0.000000e+00 : f32
    %broadcast_in_dim3A_1175 = vector.broadcast %jit3A_1173 : f32 to vector<1472x1xf32>
    %broadcast_in_dim3A_1176 = vector.broadcast %jit3A_1174 : f32 to vector<1472x1xf32>
    %select_n3A_1177 = arith.select %eq3A_1172, %broadcast_in_dim3A_1175, %broadcast_in_dim3A_1176 : vector<1472x1xi1>, vector<1472x1xf32>
    %get3A_1178 = arith.constant 1 : index
    %get3A_1179 = arith.constant 0 : index
    %get3A_1180 = vector.load %arg2[%get3A_1178, %get3A_1179] : memref<4x11xf32, #tpu.memory_space<vmem>>, vector<1x11xf32>
    %mul3A_1181 = vector.broadcast %select_n3A_1177 : vector<1472x1xf32> to vector<1472x11xf32>
    %mul3A_1182 = vector.broadcast %get3A_1180 : vector<1x11xf32> to vector<1472x11xf32>
    %mul3A_1183 = arith.mulf %mul3A_1181, %mul3A_1182 : vector<1472x11xf32>
    %add3A_1184 = arith.addf %add3A_1169, %mul3A_1183 : vector<1472x11xf32>
    %eq3A_1185 = arith.constant 2 : i32
    %eq3A_1186 = vector.broadcast %eq3A_1185 : i32 to vector<1472x1xi32>
    %eq3A_1187 = arith.cmpi eq, %select_n3A_496, %eq3A_1186 : vector<1472x1xi32>
    %jit3A_1188 = arith.constant 1.000000e+00 : f32
    %jit3A_1189 = arith.constant 0.000000e+00 : f32
    %broadcast_in_dim3A_1190 = vector.broadcast %jit3A_1188 : f32 to vector<1472x1xf32>
    %broadcast_in_dim3A_1191 = vector.broadcast %jit3A_1189 : f32 to vector<1472x1xf32>
    %select_n3A_1192 = arith.select %eq3A_1187, %broadcast_in_dim3A_1190, %broadcast_in_dim3A_1191 : vector<1472x1xi1>, vector<1472x1xf32>
    %get3A_1193 = arith.constant 2 : index
    %get3A_1194 = arith.constant 0 : index
    %get3A_1195 = vector.load %arg2[%get3A_1193, %get3A_1194] : memref<4x11xf32, #tpu.memory_space<vmem>>, vector<1x11xf32>
    %mul3A_1196 = vector.broadcast %select_n3A_1192 : vector<1472x1xf32> to vector<1472x11xf32>
    %mul3A_1197 = vector.broadcast %get3A_1195 : vector<1x11xf32> to vector<1472x11xf32>
    %mul3A_1198 = arith.mulf %mul3A_1196, %mul3A_1197 : vector<1472x11xf32>
    %add3A_1199 = arith.addf %add3A_1184, %mul3A_1198 : vector<1472x11xf32>
    %eq3A_1200 = arith.constant 3 : i32
    %eq3A_1201 = vector.broadcast %eq3A_1200 : i32 to vector<1472x1xi32>
    %eq3A_1202 = arith.cmpi eq, %select_n3A_496, %eq3A_1201 : vector<1472x1xi32>
    %jit3A_1203 = arith.constant 1.000000e+00 : f32
    %jit3A_1204 = arith.constant 0.000000e+00 : f32
    %broadcast_in_dim3A_1205 = vector.broadcast %jit3A_1203 : f32 to vector<1472x1xf32>
    %broadcast_in_dim3A_1206 = vector.broadcast %jit3A_1204 : f32 to vector<1472x1xf32>
    %select_n3A_1207 = arith.select %eq3A_1202, %broadcast_in_dim3A_1205, %broadcast_in_dim3A_1206 : vector<1472x1xi1>, vector<1472x1xf32>
    %get3A_1208 = arith.constant 3 : index
    %get3A_1209 = arith.constant 0 : index
    %get3A_1210 = vector.load %arg2[%get3A_1208, %get3A_1209] : memref<4x11xf32, #tpu.memory_space<vmem>>, vector<1x11xf32>
    %mul3A_1211 = vector.broadcast %select_n3A_1207 : vector<1472x1xf32> to vector<1472x11xf32>
    %mul3A_1212 = vector.broadcast %get3A_1210 : vector<1x11xf32> to vector<1472x11xf32>
    %mul3A_1213 = arith.mulf %mul3A_1211, %mul3A_1212 : vector<1472x11xf32>
    %add3A_1214 = arith.addf %add3A_1199, %mul3A_1213 : vector<1472x11xf32>
    %broadcast_in_dim3A_1215 = arith.constant 0.000000e+00 : f32
    %broadcast_in_dim3A_1216 = vector.broadcast %broadcast_in_dim3A_1215 : f32 to vector<1472x11xf32>
    %get3A_1217 = arith.constant 0 : index
    %get3A_1218 = arith.constant 0 : index
    %get3A_1219 = vector.load %arg8[%get3A_1217, %get3A_1218] : memref<1x66xf32, #tpu.memory_space<vmem>>, vector<1x11xf32>
    %add3A_1220 = vector.broadcast %get3A_1219 : vector<1x11xf32> to vector<1472x11xf32>
    %add3A_1221 = arith.addf %broadcast_in_dim3A_1216, %add3A_1220 : vector<1472x11xf32>
    %get3A_1222 = arith.constant 0 : index
    %get3A_1223 = arith.constant 11 : index
    %get3A_1224 = vector.load %arg8[%get3A_1222, %get3A_1223] : memref<1x66xf32, #tpu.memory_space<vmem>>, vector<1x11xf32>
    %add3A_1225 = vector.broadcast %get3A_1224 : vector<1x11xf32> to vector<1472x11xf32>
    %add3A_1226 = arith.addf %add3A_1221, %add3A_1225 : vector<1472x11xf32>
    %get3A_1227 = arith.constant 0 : index
    %get3A_1228 = arith.constant 22 : index
    %get3A_1229 = vector.load %arg8[%get3A_1227, %get3A_1228] : memref<1x66xf32, #tpu.memory_space<vmem>>, vector<1x11xf32>
    %add3A_1230 = vector.broadcast %get3A_1229 : vector<1x11xf32> to vector<1472x11xf32>
    %add3A_1231 = arith.addf %add3A_1226, %add3A_1230 : vector<1472x11xf32>
    %get3A_1232 = arith.constant 0 : index
    %get3A_1233 = arith.constant 33 : index
    %get3A_1234 = vector.load %arg8[%get3A_1232, %get3A_1233] : memref<1x66xf32, #tpu.memory_space<vmem>>, vector<1x11xf32>
    %add3A_1235 = vector.broadcast %get3A_1234 : vector<1x11xf32> to vector<1472x11xf32>
    %add3A_1236 = arith.addf %add3A_1231, %add3A_1235 : vector<1472x11xf32>
    %get3A_1237 = arith.constant 0 : index
    %get3A_1238 = arith.constant 44 : index
    %get3A_1239 = vector.load %arg8[%get3A_1237, %get3A_1238] : memref<1x66xf32, #tpu.memory_space<vmem>>, vector<1x11xf32>
    %add3A_1240 = vector.broadcast %get3A_1239 : vector<1x11xf32> to vector<1472x11xf32>
    %add3A_1241 = arith.addf %add3A_1236, %add3A_1240 : vector<1472x11xf32>
    %get3A_1242 = arith.constant 0 : index
    %get3A_1243 = arith.constant 55 : index
    %get3A_1244 = vector.load %arg8[%get3A_1242, %get3A_1243] : memref<1x66xf32, #tpu.memory_space<vmem>>, vector<1x11xf32>
    %add3A_1245 = vector.broadcast %get3A_1244 : vector<1x11xf32> to vector<1472x11xf32>
    %add3A_1246 = arith.addf %add3A_1241, %add3A_1245 : vector<1472x11xf32>
    %broadcast_in_dim3A_1247 = arith.constant 0.000000e+00 : f32
    %broadcast_in_dim3A_1248 = vector.broadcast %broadcast_in_dim3A_1247 : f32 to vector<1x11xf32>
    %get3A_1249 = arith.constant 0 : index
    %get3A_1250 = arith.constant 0 : index
    %get3A_1251 = vector.load %arg7[%get3A_1249, %get3A_1250] : memref<6x66xf32, #tpu.memory_space<vmem>>, vector<1x11xf32>
    %add3A_1252 = arith.addf %broadcast_in_dim3A_1248, %get3A_1251 : vector<1x11xf32>
    %get3A_1253 = arith.constant 0 : index
    %get3A_1254 = arith.constant 11 : index
    %get3A_1255 = vector.load %arg7[%get3A_1253, %get3A_1254] : memref<6x66xf32, #tpu.memory_space<vmem>>, vector<1x11xf32>
    %add3A_1256 = arith.addf %add3A_1252, %get3A_1255 : vector<1x11xf32>
    %get3A_1257 = arith.constant 0 : index
    %get3A_1258 = arith.constant 22 : index
    %get3A_1259 = vector.load %arg7[%get3A_1257, %get3A_1258] : memref<6x66xf32, #tpu.memory_space<vmem>>, vector<1x11xf32>
    %add3A_1260 = arith.addf %add3A_1256, %get3A_1259 : vector<1x11xf32>
    %get3A_1261 = arith.constant 0 : index
    %get3A_1262 = arith.constant 33 : index
    %get3A_1263 = vector.load %arg7[%get3A_1261, %get3A_1262] : memref<6x66xf32, #tpu.memory_space<vmem>>, vector<1x11xf32>
    %add3A_1264 = arith.addf %add3A_1260, %get3A_1263 : vector<1x11xf32>
    %get3A_1265 = arith.constant 0 : index
    %get3A_1266 = arith.constant 44 : index
    %get3A_1267 = vector.load %arg7[%get3A_1265, %get3A_1266] : memref<6x66xf32, #tpu.memory_space<vmem>>, vector<1x11xf32>
    %add3A_1268 = arith.addf %add3A_1264, %get3A_1267 : vector<1x11xf32>
    %get3A_1269 = arith.constant 0 : index
    %get3A_1270 = arith.constant 55 : index
    %get3A_1271 = vector.load %arg7[%get3A_1269, %get3A_1270] : memref<6x66xf32, #tpu.memory_space<vmem>>, vector<1x11xf32>
    %add3A_1272 = arith.addf %add3A_1268, %get3A_1271 : vector<1x11xf32>
    %jit3A_1273 = arith.constant 1.000000e+00 : f32
    %jit3A_1274 = arith.constant 0.000000e+00 : f32
    %broadcast_in_dim3A_1275 = vector.broadcast %jit3A_1273 : f32 to vector<1472x1xf32>
    %broadcast_in_dim3A_1276 = vector.broadcast %jit3A_1274 : f32 to vector<1472x1xf32>
    %select_n3A_1277 = arith.select %eq3A_778, %broadcast_in_dim3A_1275, %broadcast_in_dim3A_1276 : vector<1472x1xi1>, vector<1472x1xf32>
    %mul3A_1278 = vector.broadcast %select_n3A_1277 : vector<1472x1xf32> to vector<1472x11xf32>
    %mul3A_1279 = vector.broadcast %add3A_1272 : vector<1x11xf32> to vector<1472x11xf32>
    %mul3A_1280 = arith.mulf %mul3A_1278, %mul3A_1279 : vector<1472x11xf32>
    %add3A_1281 = arith.addf %add3A_1246, %mul3A_1280 : vector<1472x11xf32>
    %broadcast_in_dim3A_1282 = arith.constant 0.000000e+00 : f32
    %broadcast_in_dim3A_1283 = vector.broadcast %broadcast_in_dim3A_1282 : f32 to vector<1x11xf32>
    %get3A_1284 = arith.constant 1 : index
    %get3A_1285 = arith.constant 0 : index
    %get3A_1286 = vector.load %arg7[%get3A_1284, %get3A_1285] : memref<6x66xf32, #tpu.memory_space<vmem>>, vector<1x11xf32>
    %add3A_1287 = arith.addf %broadcast_in_dim3A_1283, %get3A_1286 : vector<1x11xf32>
    %get3A_1288 = arith.constant 1 : index
    %get3A_1289 = arith.constant 11 : index
    %get3A_1290 = vector.load %arg7[%get3A_1288, %get3A_1289] : memref<6x66xf32, #tpu.memory_space<vmem>>, vector<1x11xf32>
    %add3A_1291 = arith.addf %add3A_1287, %get3A_1290 : vector<1x11xf32>
    %get3A_1292 = arith.constant 1 : index
    %get3A_1293 = arith.constant 22 : index
    %get3A_1294 = vector.load %arg7[%get3A_1292, %get3A_1293] : memref<6x66xf32, #tpu.memory_space<vmem>>, vector<1x11xf32>
    %add3A_1295 = arith.addf %add3A_1291, %get3A_1294 : vector<1x11xf32>
    %get3A_1296 = arith.constant 1 : index
    %get3A_1297 = arith.constant 33 : index
    %get3A_1298 = vector.load %arg7[%get3A_1296, %get3A_1297] : memref<6x66xf32, #tpu.memory_space<vmem>>, vector<1x11xf32>
    %add3A_1299 = arith.addf %add3A_1295, %get3A_1298 : vector<1x11xf32>
    %get3A_1300 = arith.constant 1 : index
    %get3A_1301 = arith.constant 44 : index
    %get3A_1302 = vector.load %arg7[%get3A_1300, %get3A_1301] : memref<6x66xf32, #tpu.memory_space<vmem>>, vector<1x11xf32>
    %add3A_1303 = arith.addf %add3A_1299, %get3A_1302 : vector<1x11xf32>
    %get3A_1304 = arith.constant 1 : index
    %get3A_1305 = arith.constant 55 : index
    %get3A_1306 = vector.load %arg7[%get3A_1304, %get3A_1305] : memref<6x66xf32, #tpu.memory_space<vmem>>, vector<1x11xf32>
    %add3A_1307 = arith.addf %add3A_1303, %get3A_1306 : vector<1x11xf32>
    %jit3A_1308 = arith.constant 1.000000e+00 : f32
    %jit3A_1309 = arith.constant 0.000000e+00 : f32
    %broadcast_in_dim3A_1310 = vector.broadcast %jit3A_1308 : f32 to vector<1472x1xf32>
    %broadcast_in_dim3A_1311 = vector.broadcast %jit3A_1309 : f32 to vector<1472x1xf32>
    %select_n3A_1312 = arith.select %ne3A_779, %broadcast_in_dim3A_1310, %broadcast_in_dim3A_1311 : vector<1472x1xi1>, vector<1472x1xf32>
    %mul3A_1313 = vector.broadcast %select_n3A_1312 : vector<1472x1xf32> to vector<1472x11xf32>
    %mul3A_1314 = vector.broadcast %add3A_1307 : vector<1x11xf32> to vector<1472x11xf32>
    %mul3A_1315 = arith.mulf %mul3A_1313, %mul3A_1314 : vector<1472x11xf32>
    %add3A_1316 = arith.addf %add3A_1281, %mul3A_1315 : vector<1472x11xf32>
    %broadcast_in_dim3A_1317 = arith.constant 0.000000e+00 : f32
    %broadcast_in_dim3A_1318 = vector.broadcast %broadcast_in_dim3A_1317 : f32 to vector<1x11xf32>
    %get3A_1319 = arith.constant 2 : index
    %get3A_1320 = arith.constant 0 : index
    %get3A_1321 = vector.load %arg7[%get3A_1319, %get3A_1320] : memref<6x66xf32, #tpu.memory_space<vmem>>, vector<1x11xf32>
    %add3A_1322 = arith.addf %broadcast_in_dim3A_1318, %get3A_1321 : vector<1x11xf32>
    %get3A_1323 = arith.constant 2 : index
    %get3A_1324 = arith.constant 11 : index
    %get3A_1325 = vector.load %arg7[%get3A_1323, %get3A_1324] : memref<6x66xf32, #tpu.memory_space<vmem>>, vector<1x11xf32>
    %add3A_1326 = arith.addf %add3A_1322, %get3A_1325 : vector<1x11xf32>
    %get3A_1327 = arith.constant 2 : index
    %get3A_1328 = arith.constant 22 : index
    %get3A_1329 = vector.load %arg7[%get3A_1327, %get3A_1328] : memref<6x66xf32, #tpu.memory_space<vmem>>, vector<1x11xf32>
    %add3A_1330 = arith.addf %add3A_1326, %get3A_1329 : vector<1x11xf32>
    %get3A_1331 = arith.constant 2 : index
    %get3A_1332 = arith.constant 33 : index
    %get3A_1333 = vector.load %arg7[%get3A_1331, %get3A_1332] : memref<6x66xf32, #tpu.memory_space<vmem>>, vector<1x11xf32>
    %add3A_1334 = arith.addf %add3A_1330, %get3A_1333 : vector<1x11xf32>
    %get3A_1335 = arith.constant 2 : index
    %get3A_1336 = arith.constant 44 : index
    %get3A_1337 = vector.load %arg7[%get3A_1335, %get3A_1336] : memref<6x66xf32, #tpu.memory_space<vmem>>, vector<1x11xf32>
    %add3A_1338 = arith.addf %add3A_1334, %get3A_1337 : vector<1x11xf32>
    %get3A_1339 = arith.constant 2 : index
    %get3A_1340 = arith.constant 55 : index
    %get3A_1341 = vector.load %arg7[%get3A_1339, %get3A_1340] : memref<6x66xf32, #tpu.memory_space<vmem>>, vector<1x11xf32>
    %add3A_1342 = arith.addf %add3A_1338, %get3A_1341 : vector<1x11xf32>
    %jit3A_1343 = arith.constant 1.000000e+00 : f32
    %jit3A_1344 = arith.constant 0.000000e+00 : f32
    %broadcast_in_dim3A_1345 = vector.broadcast %jit3A_1343 : f32 to vector<1472x1xf32>
    %broadcast_in_dim3A_1346 = vector.broadcast %jit3A_1344 : f32 to vector<1472x1xf32>
    %select_n3A_1347 = arith.select %and3A_805, %broadcast_in_dim3A_1345, %broadcast_in_dim3A_1346 : vector<1472x1xi1>, vector<1472x1xf32>
    %mul3A_1348 = vector.broadcast %select_n3A_1347 : vector<1472x1xf32> to vector<1472x11xf32>
    %mul3A_1349 = vector.broadcast %add3A_1342 : vector<1x11xf32> to vector<1472x11xf32>
    %mul3A_1350 = arith.mulf %mul3A_1348, %mul3A_1349 : vector<1472x11xf32>
    %add3A_1351 = arith.addf %add3A_1316, %mul3A_1350 : vector<1472x11xf32>
    %broadcast_in_dim3A_1352 = arith.constant 0.000000e+00 : f32
    %broadcast_in_dim3A_1353 = vector.broadcast %broadcast_in_dim3A_1352 : f32 to vector<1x11xf32>
    %get3A_1354 = arith.constant 3 : index
    %get3A_1355 = arith.constant 0 : index
    %get3A_1356 = vector.load %arg7[%get3A_1354, %get3A_1355] : memref<6x66xf32, #tpu.memory_space<vmem>>, vector<1x11xf32>
    %add3A_1357 = arith.addf %broadcast_in_dim3A_1353, %get3A_1356 : vector<1x11xf32>
    %get3A_1358 = arith.constant 3 : index
    %get3A_1359 = arith.constant 11 : index
    %get3A_1360 = vector.load %arg7[%get3A_1358, %get3A_1359] : memref<6x66xf32, #tpu.memory_space<vmem>>, vector<1x11xf32>
    %add3A_1361 = arith.addf %add3A_1357, %get3A_1360 : vector<1x11xf32>
    %get3A_1362 = arith.constant 3 : index
    %get3A_1363 = arith.constant 22 : index
    %get3A_1364 = vector.load %arg7[%get3A_1362, %get3A_1363] : memref<6x66xf32, #tpu.memory_space<vmem>>, vector<1x11xf32>
    %add3A_1365 = arith.addf %add3A_1361, %get3A_1364 : vector<1x11xf32>
    %get3A_1366 = arith.constant 3 : index
    %get3A_1367 = arith.constant 33 : index
    %get3A_1368 = vector.load %arg7[%get3A_1366, %get3A_1367] : memref<6x66xf32, #tpu.memory_space<vmem>>, vector<1x11xf32>
    %add3A_1369 = arith.addf %add3A_1365, %get3A_1368 : vector<1x11xf32>
    %get3A_1370 = arith.constant 3 : index
    %get3A_1371 = arith.constant 44 : index
    %get3A_1372 = vector.load %arg7[%get3A_1370, %get3A_1371] : memref<6x66xf32, #tpu.memory_space<vmem>>, vector<1x11xf32>
    %add3A_1373 = arith.addf %add3A_1369, %get3A_1372 : vector<1x11xf32>
    %get3A_1374 = arith.constant 3 : index
    %get3A_1375 = arith.constant 55 : index
    %get3A_1376 = vector.load %arg7[%get3A_1374, %get3A_1375] : memref<6x66xf32, #tpu.memory_space<vmem>>, vector<1x11xf32>
    %add3A_1377 = arith.addf %add3A_1373, %get3A_1376 : vector<1x11xf32>
    %jit3A_1378 = arith.constant 1.000000e+00 : f32
    %jit3A_1379 = arith.constant 0.000000e+00 : f32
    %broadcast_in_dim3A_1380 = vector.broadcast %jit3A_1378 : f32 to vector<1472x1xf32>
    %broadcast_in_dim3A_1381 = vector.broadcast %jit3A_1379 : f32 to vector<1472x1xf32>
    %select_n3A_1382 = arith.select %and3A_831, %broadcast_in_dim3A_1380, %broadcast_in_dim3A_1381 : vector<1472x1xi1>, vector<1472x1xf32>
    %mul3A_1383 = vector.broadcast %select_n3A_1382 : vector<1472x1xf32> to vector<1472x11xf32>
    %mul3A_1384 = vector.broadcast %add3A_1377 : vector<1x11xf32> to vector<1472x11xf32>
    %mul3A_1385 = arith.mulf %mul3A_1383, %mul3A_1384 : vector<1472x11xf32>
    %add3A_1386 = arith.addf %add3A_1351, %mul3A_1385 : vector<1472x11xf32>
    %broadcast_in_dim3A_1387 = arith.constant 0.000000e+00 : f32
    %broadcast_in_dim3A_1388 = vector.broadcast %broadcast_in_dim3A_1387 : f32 to vector<1x11xf32>
    %get3A_1389 = arith.constant 4 : index
    %get3A_1390 = arith.constant 0 : index
    %get3A_1391 = vector.load %arg7[%get3A_1389, %get3A_1390] : memref<6x66xf32, #tpu.memory_space<vmem>>, vector<1x11xf32>
    %add3A_1392 = arith.addf %broadcast_in_dim3A_1388, %get3A_1391 : vector<1x11xf32>
    %get3A_1393 = arith.constant 4 : index
    %get3A_1394 = arith.constant 11 : index
    %get3A_1395 = vector.load %arg7[%get3A_1393, %get3A_1394] : memref<6x66xf32, #tpu.memory_space<vmem>>, vector<1x11xf32>
    %add3A_1396 = arith.addf %add3A_1392, %get3A_1395 : vector<1x11xf32>
    %get3A_1397 = arith.constant 4 : index
    %get3A_1398 = arith.constant 22 : index
    %get3A_1399 = vector.load %arg7[%get3A_1397, %get3A_1398] : memref<6x66xf32, #tpu.memory_space<vmem>>, vector<1x11xf32>
    %add3A_1400 = arith.addf %add3A_1396, %get3A_1399 : vector<1x11xf32>
    %get3A_1401 = arith.constant 4 : index
    %get3A_1402 = arith.constant 33 : index
    %get3A_1403 = vector.load %arg7[%get3A_1401, %get3A_1402] : memref<6x66xf32, #tpu.memory_space<vmem>>, vector<1x11xf32>
    %add3A_1404 = arith.addf %add3A_1400, %get3A_1403 : vector<1x11xf32>
    %get3A_1405 = arith.constant 4 : index
    %get3A_1406 = arith.constant 44 : index
    %get3A_1407 = vector.load %arg7[%get3A_1405, %get3A_1406] : memref<6x66xf32, #tpu.memory_space<vmem>>, vector<1x11xf32>
    %add3A_1408 = arith.addf %add3A_1404, %get3A_1407 : vector<1x11xf32>
    %get3A_1409 = arith.constant 4 : index
    %get3A_1410 = arith.constant 55 : index
    %get3A_1411 = vector.load %arg7[%get3A_1409, %get3A_1410] : memref<6x66xf32, #tpu.memory_space<vmem>>, vector<1x11xf32>
    %add3A_1412 = arith.addf %add3A_1408, %get3A_1411 : vector<1x11xf32>
    %jit3A_1413 = arith.constant 1.000000e+00 : f32
    %jit3A_1414 = arith.constant 0.000000e+00 : f32
    %broadcast_in_dim3A_1415 = vector.broadcast %jit3A_1413 : f32 to vector<1472x1xf32>
    %broadcast_in_dim3A_1416 = vector.broadcast %jit3A_1414 : f32 to vector<1472x1xf32>
    %select_n3A_1417 = arith.select %and3A_835, %broadcast_in_dim3A_1415, %broadcast_in_dim3A_1416 : vector<1472x1xi1>, vector<1472x1xf32>
    %mul3A_1418 = vector.broadcast %select_n3A_1417 : vector<1472x1xf32> to vector<1472x11xf32>
    %mul3A_1419 = vector.broadcast %add3A_1412 : vector<1x11xf32> to vector<1472x11xf32>
    %mul3A_1420 = arith.mulf %mul3A_1418, %mul3A_1419 : vector<1472x11xf32>
    %add3A_1421 = arith.addf %add3A_1386, %mul3A_1420 : vector<1472x11xf32>
    %broadcast_in_dim3A_1422 = arith.constant 0.000000e+00 : f32
    %broadcast_in_dim3A_1423 = vector.broadcast %broadcast_in_dim3A_1422 : f32 to vector<1x11xf32>
    %get3A_1424 = arith.constant 5 : index
    %get3A_1425 = arith.constant 0 : index
    %get3A_1426 = vector.load %arg7[%get3A_1424, %get3A_1425] : memref<6x66xf32, #tpu.memory_space<vmem>>, vector<1x11xf32>
    %add3A_1427 = arith.addf %broadcast_in_dim3A_1423, %get3A_1426 : vector<1x11xf32>
    %get3A_1428 = arith.constant 5 : index
    %get3A_1429 = arith.constant 11 : index
    %get3A_1430 = vector.load %arg7[%get3A_1428, %get3A_1429] : memref<6x66xf32, #tpu.memory_space<vmem>>, vector<1x11xf32>
    %add3A_1431 = arith.addf %add3A_1427, %get3A_1430 : vector<1x11xf32>
    %get3A_1432 = arith.constant 5 : index
    %get3A_1433 = arith.constant 22 : index
    %get3A_1434 = vector.load %arg7[%get3A_1432, %get3A_1433] : memref<6x66xf32, #tpu.memory_space<vmem>>, vector<1x11xf32>
    %add3A_1435 = arith.addf %add3A_1431, %get3A_1434 : vector<1x11xf32>
    %get3A_1436 = arith.constant 5 : index
    %get3A_1437 = arith.constant 33 : index
    %get3A_1438 = vector.load %arg7[%get3A_1436, %get3A_1437] : memref<6x66xf32, #tpu.memory_space<vmem>>, vector<1x11xf32>
    %add3A_1439 = arith.addf %add3A_1435, %get3A_1438 : vector<1x11xf32>
    %get3A_1440 = arith.constant 5 : index
    %get3A_1441 = arith.constant 44 : index
    %get3A_1442 = vector.load %arg7[%get3A_1440, %get3A_1441] : memref<6x66xf32, #tpu.memory_space<vmem>>, vector<1x11xf32>
    %add3A_1443 = arith.addf %add3A_1439, %get3A_1442 : vector<1x11xf32>
    %get3A_1444 = arith.constant 5 : index
    %get3A_1445 = arith.constant 55 : index
    %get3A_1446 = vector.load %arg7[%get3A_1444, %get3A_1445] : memref<6x66xf32, #tpu.memory_space<vmem>>, vector<1x11xf32>
    %add3A_1447 = arith.addf %add3A_1443, %get3A_1446 : vector<1x11xf32>
    %jit3A_1448 = arith.constant 1.000000e+00 : f32
    %jit3A_1449 = arith.constant 0.000000e+00 : f32
    %broadcast_in_dim3A_1450 = vector.broadcast %jit3A_1448 : f32 to vector<1472x1xf32>
    %broadcast_in_dim3A_1451 = vector.broadcast %jit3A_1449 : f32 to vector<1472x1xf32>
    %select_n3A_1452 = arith.select %and3A_842, %broadcast_in_dim3A_1450, %broadcast_in_dim3A_1451 : vector<1472x1xi1>, vector<1472x1xf32>
    %mul3A_1453 = vector.broadcast %select_n3A_1452 : vector<1472x1xf32> to vector<1472x11xf32>
    %mul3A_1454 = vector.broadcast %add3A_1447 : vector<1x11xf32> to vector<1472x11xf32>
    %mul3A_1455 = arith.mulf %mul3A_1453, %mul3A_1454 : vector<1472x11xf32>
    %add3A_1456 = arith.addf %add3A_1421, %mul3A_1455 : vector<1472x11xf32>
    %broadcast_in_dim3A_1457 = arith.constant 0.000000e+00 : f32
    %broadcast_in_dim3A_1458 = vector.broadcast %broadcast_in_dim3A_1457 : f32 to vector<1472x6xf32>
    %concatenate3A = tpu.concatenate %add3A_948, %add3A_959, %add3A_970, %add3A_1152, %add3A_1214, %add3A_1456, %broadcast_in_dim3A_1458 in 1 : vector<1472x11xf32>, vector<1472x11xf32>, vector<1472x11xf32>, vector<1472x11xf32>, vector<1472x11xf32>, vector<1472x11xf32>, vector<1472x6xf32> -> vector<1472x72xf32>
    %swap3A = arith.constant 0 : index
    %swap3A_1459 = arith.constant 0 : index
    %swap3A_1460 = vector.load %arg9[%swap3A, %swap3A_1459] : memref<1472x72xf32, #tpu.memory_space<vmem>>, vector<1472x72xf32>
    tpu.vector_store %arg9[%swap3A, %swap3A_1459], %concatenate3A {strides = array<i32>} : memref<1472x72xf32, #tpu.memory_space<vmem>>, vector<1472x72xf32>,
    return
  }
}

</mosaic_0001>

<sc_bundles>
// kernel: kernel.4.cloned.1.call-start
scs
__scs_entry_jumppad:
0x0: {  	(pc) =	sbr.rel $0x88, $3  }
0x1: {  	(tag) =	ssettag $0x0;
	lr =	simm.s32 $0x1  }
0x2: {  	[smem:$0x3F97] =	sst lr;
	_ =	strace $0xD0000000  }
0x3: {  	_ = 	snop  }
0x4: {  	_ = 	snop  }
0x5: {  	_ = 	snop  }
0x6: {  	_ = 	snop  }
0x7: {  	_ = 	snop  }
__scs_overlays_trampoline_lowered:
0x8: {  	[smem:$0x3FA6] =	sst s0  }
0x9: {  	[smem:$0x3FA7] =	sst s1  }
0xa: {  	[smem:$0x3FA8] =	sst s2  }
0xb: {  	[smem:$0x3FA9] =	sst s3  }
0xc: {  	[smem:$0x3FAA] =	sst s4  }
0xd: {  	[smem:$0x3FAB] =	sst s5  }
0xe: {  	[smem:$0x3FAC] =	sst s6  }
0xf: {  	[smem:$0x3FAD] =	sst s7  }
0x10: {  	[smem:$0x3FAE] =	sst s8  }
0x11: {  	[smem:$0x3FAF] =	sst s9;
	s0 =	simm.s32 @!p0 $0x0  }
0x12: {  	s1 =	sld [smem:$0x3F95];
	s0 =	simm.s32 @p0 $0x1  }
0x13: {  	[smem:$0x3FB0] =	sst s0;
	s0 =	simm.s32 @!p1 $0x0  }
0x14: {  	s2 =	sld [smem:$0x3F94];
	s0 =	simm.s32 @p1 $0x1  }
0x15: {  	[smem:$0x3FB1] =	sst s0;
	s0 =	simm.s32 @!p2 $0x0  }
0x16: {  	s3 =	sld [smem:$0x3FDB];
	s0 =	simm.s32 @p2 $0x1  }
0x17: {  	s4 =	simm.s32 $0x1BF5;
	[smem:$0x3FB3] =	sst s0  }
0x18: {  	s0 =	sld [smem:$0x3F96];
	_ =	swait.ge [sflag:s4], $0x0  }
0x19: {  	s7 =	sld [smem:$0x3F97]  }
0x1a: {  	s8 =	sadd.s32 $0xFFFFE003, lr  }
0x1b: {  	s9 =	sadd.s32 $0xFFFFFEF7, lr;
	s5 =	simm.s32 $0xFFFFFFFF;
	p2 =	slt.u32 s8, $0xFFFFF086  }
0x1c: {  	p1 =	slt.u32 s9, $0xF7A;
	s5 =	simm.s32 @!p2 $0x0  }
0x1d: {  	s5 =	simm.s32 @p1 $0x1;
	p0 =	seq.s32 s7, s2  }
0x1e: {  	s7 =	smul.u32 @!p0 $0xF7A, s2;
	p2 =	seq.s32 @!p0 s5, $0x0  }
0x1f: {  	s9 =	smul.u32 $0xF7A, s1;
	s8 =	simm.s32 @!p0 $0x1BF5;
	p2 =	por !p2, p0  }
0x20: {  	[sflag:s8] =	ssyncset.s32 @!p0 $0xFFFFF086;
	s6 =	sadd.s32 @!p0 s3, s7;
	s7 =	simm.s32 @!p0 $0x108  }
0x21: {  	s3 =	sadd.s32 s3, s9;
	s6 =	sadd.s32 @!p0 $0x88, s6;
	s7 =	simm.s32 @p2 $0x1082  }
0x22: {  	[simem:s7], [sflag:s8] =	dma.local @!p0 [hbm:s6], $0xF7A  }
0x23: {  	s9 =	sor.u32 $0xD0000000, s2;
	s6 =	simm.s32 $0x108;
	_ =	swait.ge @!p0 [sflag:s8], $0x0  }
0x24: {  	s3 =	sadd.s32 $0x88, s3;
	s6 =	simm.s32 @!p1 $0x1082;
	[sflag:s4] =	ssyncset.s32 $0xFFFFF086  }
0x25: {  	[simem:s6], [sflag:s4] =	dma.local [hbm:s3], $0xF7A  }
0x26: {  	[smem:$0x3F97] =	sst s1;
	(tag) =	ssettag s2;
	_ =	strace s9  }
0x27: {  	s1 =	sld [smem:$0x3FA7]  }
0x28: {  	s2 =	sld [smem:$0x3FA8]  }
0x29: {  	s4 =	sld [smem:$0x3FAA]  }
0x2a: {  	p0 =	seq.s32 s5, $0x0;
	s5 =	sld [smem:$0x3FAB]  }
0x2b: {  	s6 =	sld [smem:$0x3FAC]  }
0x2c: {  	s7 =	sld [smem:$0x3FAD]  }
0x2d: {  	s3 =	simm.s32 $0x108;
	s8 =	sld [smem:$0x3FAE]  }
0x2e: {  	s3 =	simm.s32 @!p0 $0x1082;
	s9 =	sld [smem:$0x3FAF]  }
0x2f: {  	lr =	sadd.s32 s0, s3;
	s0 =	sld [smem:$0x3FA6]  }
0x30: {  	s3 =	sld [smem:$0x3FA9]  }
0x31: {  	[smem:$0x3FB2] =	sst s10  }
0x32: {  	s10 =	sld [smem:$0x3FB0];
	_ =	sdelay $0x3  }
0x33: {  	p0 =	seq.s32 s10, $0x1;
	s10 =	sld [smem:$0x3FB2];
	_ =	sdelay $0x3  }
0x34: {  	[smem:$0x3FB2] =	sst s10  }
0x35: {  	s10 =	sld [smem:$0x3FB1];
	_ =	sdelay $0x3  }
0x36: {  	p1 =	seq.s32 s10, $0x1;
	s10 =	sld [smem:$0x3FB2];
	_ =	sdelay $0x3  }
0x37: {  	[smem:$0x3FB2] =	sst s10  }
0x38: {  	s10 =	sld [smem:$0x3FB3]  }
0x39: {  	_ = 	snop;
	(pc) =	sbr.ind lr, $3  }
0x3a: {  	_ = 	snop  }
0x3b: {  	_ = 	snop  }
0x3c: {  	p2 =	seq.s32 s10, $0x1;
	s10 =	sld [smem:$0x3FB2]  }
0x3d: {  	_ =	shalt  }
0x3e: {  	_ =	shalt  }
0x3f: {  	_ =	shalt  }
0x40: {  	_ =	shalt  }
0x41: {  	_ =	shalt  }
0x42: {  	_ =	shalt  }
0x43: {  	_ =	shalt  }
0x44: {  	_ =	shalt  }
0x45: {  	_ =	shalt  }
0x46: {  	_ =	shalt  }
0x47: {  	_ =	shalt  }
0x48: {  	_ =	shalt  }
0x49: {  	_ =	shalt  }
0x4a: {  	_ =	shalt  }
0x4b: {  	_ =	shalt  }
0x4c: {  	_ =	shalt  }
0x4d: {  	_ =	shalt  }
0x4e: {  	_ =	shalt  }
0x4f: {  	_ =	shalt  }
0x50: {  	_ =	shalt  }
0x51: {  	_ =	shalt  }
0x52: {  	_ =	shalt  }
0x53: {  	_ =	shalt  }
0x54: {  	_ =	shalt  }
0x55: {  	_ =	shalt  }
0x56: {  	_ =	shalt  }
0x57: {  	_ =	shalt  }
0x58: {  	_ =	shalt  }
0x59: {  	_ =	shalt  }
0x5a: {  	_ =	shalt  }
0x5b: {  	_ =	shalt  }
0x5c: {  	_ =	shalt  }
0x5d: {  	_ =	shalt  }
0x5e: {  	_ =	shalt  }
0x5f: {  	_ =	shalt  }
0x60: {  	_ =	shalt  }
0x61: {  	_ =	shalt  }
0x62: {  	_ =	shalt  }
0x63: {  	_ =	shalt  }
0x64: {  	_ =	shalt  }
0x65: {  	_ =	shalt  }
0x66: {  	_ =	shalt  }
0x67: {  	_ =	shalt  }
0x68: {  	_ =	shalt  }
0x69: {  	_ =	shalt  }
0x6a: {  	_ =	shalt  }
0x6b: {  	_ =	shalt  }
0x6c: {  	_ =	shalt  }
0x6d: {  	_ =	shalt  }
0x6e: {  	_ =	shalt  }
0x6f: {  	_ =	shalt  }
0x70: {  	_ =	shalt  }
0x71: {  	_ =	shalt  }
0x72: {  	_ =	shalt  }
0x73: {  	_ =	shalt  }
0x74: {  	_ =	shalt  }
0x75: {  	_ =	shalt  }
0x76: {  	_ =	shalt  }
0x77: {  	_ =	shalt  }
0x78: {  	_ =	shalt  }
0x79: {  	_ =	shalt  }
0x7a: {  	_ =	shalt  }
0x7b: {  	_ =	shalt  }
0x7c: {  	_ =	shalt  }
0x7d: {  	_ =	shalt  }
0x7e: {  	_ =	shalt  }
0x7f: {  	_ =	shalt  }
0x80: {  	_ =	shalt  }
0x81: {  	_ =	shalt  }
0x82: {  	_ =	shalt  }
0x83: {  	_ =	shalt  }
0x84: {  	_ =	shalt  }
0x85: {  	_ =	shalt  }
0x86: {  	_ =	shalt  }
0x87: {  	_ =	shalt  }
.Lfunc_end0:
.L_simem_size_0:
called_computation.1_lowered:
.L_overlay_start_0:
0x88: {  	s2 =	sld [smem:$0x3FD9]  }
0x89: {  	s3 =	sld [smem:$0x3FFE];
	_ =	sdelay $0x1  }
0x8a: {  	s1 =	srdreg.scid  }
0x8b: {  	s0 =	sand.u32 $0x1, s1  }
0x8c: {  	s17 =	sshll.u32 s0, $0xA;
	s2 =	sadd.s32 s3, s2  }
0x8d: {  	s2 =	sadd.s32 s2, s17  }
0x8e: {  	[smem:$0x3FBE] =	sst s2  }
0x8f: {  	_ = 	snop  }
0x90: {  	s2 =	sld [smem:$0x3FD0];
	(tm) =	ssettm $0x1  }
0x91: {  	s18 =	sld [smem:$0x3FFB];
	_ =	sdelay $0x3  }
0x92: {  	_ =	strace s18  }
0x93: {  	s3 =	sld [smem:$0x3FFC];
	_ =	sdelay $0x3  }
0x94: {  	_ =	strace s3  }
0x95: {  	s3 =	sld [smem:$0x3FFD];
	_ =	sdelay $0x3  }
0x96: {  	_ =	strace s3  }
0x97: {  	_ =	strace $0x8FFFFFFF  }
0x98: {  	s19 =	sld [smem:$0x3FDB];
	_ =	sdelay $0x1  }
0x99: {  	s4 =	simm.s32 $_scs_section_size  }
0x9a: {  	s5 =	simm.s32 $_size__tile_overlayer_lowered;
	s6 =	simm.s32 $_tile_overlayer_lowered  }
0x9b: {  	s22 =	simm.s32 $0x1BFF;
	s21 =	sshll.u32 s6, $0x1;
	s3 =	sadd.s32 s4, s19  }
0x9c: {  	s7 =	simm.s32 $0x0;
	s20 =	sshll.u32 s5, $0x1;
	s5 =	sadd.s32 s21, s3  }
0x9d: {  	[timem:s7], [sflag:s22] =	dma.local [hbm:s5], s20  }
0x9e: {  	_ =	swait.ge [sflag:s22], s20  }
0x9f: {  	s4 =	ssub.s32 $0x0, s20;
	[sflag:s22] =	ssyncset.done $0x0  }
0xa0: {  	[sflag:s22] =	ssyncadd.s32 s4;
	_ =	sdelay $0x1  }
0xa1: {  	s23 =	simm.s32 $0x1B8B  }
0xa2: {  	_ =	swait.ge [sflag:s23], $0x1  }
0xa3: {  	[sflag:s23] =	ssyncset.done $0x0  }
0xa4: {  	s25 =	simm.s32 $0x1B8E;
	s24 =	sld [smem:$0x3FFE];
	[sflag:s23] =	ssyncadd.s32 $0xFFFFFFFF  }
0xa5: {  	s26 =	simm.s32 $execute0_lowered;
	[smem:$0x3FD2] =	sst s25  }
0xa6: {  	s5 =	sshll.u32 s26, $0x1;
	_ =	strace $0x80000046;
	[dreg:$0x1] =	wrdreg $0xFFFFFFFF  }
0xa7: {  	s28 =	simm.s32 $_size_execute0_lowered;
	s3 =	sadd.s32 s3, s5;
	[dreg:$0x0] =	wrdreg $0x0  }
0xa8: {  	s5 =	sshll.u32 s28, $0x1;
	[dreg:$0x2] =	wrdreg s3  }
0xa9: {  	[dreg:$0x3] =	wrdreg s5  }
0xaa: {  	[dreg:$0x4] =	wrdreg $0xC0  }
0xab: {  	_ =	task [dreg:s7], $0x5FFFF  }
0xac: {  	[dreg:$0x1] =	wrdreg $0xFFFFFFFF  }
0xad: {  	[dreg:$0x0] =	wrdreg $0x60  }
0xae: {  	[dreg:$0x2] =	wrdreg s24  }
0xaf: {  	[dreg:$0x3] =	wrdreg s2  }
0xb0: {  	[dreg:$0x4] =	wrdreg $0x9  }
0xb1: {  	_ =	task.clear_ibuf [dreg:s7], $0x5FFFF;
	_ =	strace $0x90000046  }
0xb2: {  	s29 =	simm.s32 $0x9;
	_ =	strace $0x80000048  }
0xb3: {  	_ =	swait.ge [sflag:s29], $0x1  }
0xb4: {  	[sflag:s29] =	ssyncadd.s32 $0xFFFFFFFF  }
0xb5: {  	_ =	strace $0x90000048  }
0xb6: {  	_ =	sfence  }
0xb7: {  	s30 =	sld [smem:$0x0];
	_ =	sdelay $0x2  }
0xb8: {  	s31 =	sshll.u32 s1, $0xD;
	s1 =	sshrl.u32 s1, $0x2  }
0xb9: {  	s3 =	sand.u32 $0x4000, s31;
	s1 =	sadd.s32 s1, s30  }
0xba: {  	s0 =	sor.u32 s3, s0;
	s1 =	sshll.u32 s1, $0x11  }
0xbb: {  	s0 =	sor.u32 s1, s0  }
0xbc: {  	s0 =	sadd.s32 $0x8F2B, s0  }
0xbd: {  	[sflag:s0] =	ssyncadd.remote.s32 $0x1  }
0xbe: {  	_ =	sfence.sel $0xFFFF  }
0xbf: {  	[dreg:$0x0] =	wrdreg $0xFFFFFFFF;
	(pc) =	sbr.abs _section_cstart, $3  }
0xc0: {  	[dreg:$0x1] =	wrdreg $0xFFFFFFFF  }
0xc1: {  	_ =	task.clear_ibuf [dreg:s7], $0x2FFFF;
	_ =	strace $0x9FFFFFFF  }
0xc2: {  	(tm) =	ssettm $0x7FFFFFFF  }
0xc3: {  	_ =	shalt  }
tec
execute0_lowered:
.L_overlay_start_1:
0x0: {  	(tag) =	ssettag $0x1  }
0x1: {  	s1 =	srdreg.scid  }
0x2: {  	s0 =	stileid.u32;
	s4 =	rddreg [dreg:$0x0]  }
0x3: {  	s7 =	rddreg [dreg:$0x1];
	s2 =	simm.s32 $0x0;
	s11 =	simm.s32 $0x4C00  }
0x4: {  	s12 =	simm.s32 $0x7000;
	s13 =	simm.s32 $0x9400;
	s14 =	simm.s32 $0xB800  }
0x5: {  	s15 =	simm.s32 $0xDC00;
	s16 =	simm.s32 $0x10000;
	s17 =	simm.s32 $0x12400  }
0x6: {  	s18 =	simm.s32 $0x14800;
	s19 =	simm.s32 $0x16C00;
	s20 =	simm.s32 $0x1  }
0x7: {  	s21 =	simm.s32 $0x2;
	s22 =	simm.s32 $0x3;
	s8 =	smul.u32 $0x168000, s0  }
0x8: {  	s23 =	simm.s32 $0x0;
	s5 =	sand.u32 $0x1, s1;
	s29 =	smul.u32 $0x2D000, s0  }
0x9: {  	s26 =	sshll.u32 s0, $0x1;
	s1 =	rddreg [dreg:$0x2];
	s10 =	smul.u32 $0xB4000, s5  }
0xa: {  	[smem:$0x7FF] =	sst s2;
	s3 =	sor.u32 s5, s26;
	s30 =	smul.u32 $0x16800, s5  }
0xb: {  	_ =	strace $0x80000047;
	s9 =	ssub.s32 $0x2, s5;
	s6 =	smul.u32 $0x500, s3  }
0xc: {  	s3 =	sadd.s32 $0x1A00, s4;
	s28 =	sshrl.u32 s9, $0x1;
	s31 =	sadd.s32 s29, s7  }
0xd: {  	s8 =	sadd.s32 s10, s8;
	s10 =	simm.s32 $0x2800;
	s4 =	sadd.s32 s6, s4  }
0xe: {  	s6 =	ssub.s32 s9, s28;
	s8 =	sadd.s32 $0xB400, s8;
	s9 =	simm.s32 $0x80  }
0xf: {  	s4 =	sadd.s32 $0x4E00, s4;
	s5 =	smax.u32 s6, $0x1;
	s8 =	sshrl.u32 s8, $0x3  }
0x10: {  	s6 =	sadd.s32 s30, s31;
	s7 =	sadd.s32 s8, s7;
	s8 =	simm.s32 $0x4  }
.LBB2_1:
0x11: {  	[tilespmem:s2], [sflag:$0x4] =	stream.linear.gather [hbm4b:s4+s2], $0x2800, $0x38;
	[tilespmem:$0x19000] =	vst v63  }
0x12: {  	_ =	swait.ge [sflag:s8], $0x2800  }
0x13: {  	[sflag:s8] =	ssyncset.done $0x0  }
0x14: {  	s24 =	simm.s32 $0x0;
	[sflag:s8] =	ssyncadd.s32 $0xFFFFD800  }
0x15: {  	[tilespmem:s10], [sflag:$0x1] =	stream.indirect.gather [hbm4b:s3+s9], $0x48, s24, s9, $0xb8;
	[tilespmem:$0x19000] =	vst v63  }
0x16: {  	s26 =	simm.s32 $0x80  }
0x17: {  	[tilespmem:s11], [sflag:$0x1] =	stream.indirect.gather [hbm4b:s3+s9], $0x48, s26, s9, $0xb8;
	[tilespmem:$0x19000] =	vst v63  }
0x18: {  	s28 =	simm.s32 $0x100  }
0x19: {  	[tilespmem:s12], [sflag:$0x1] =	stream.indirect.gather [hbm4b:s3+s9], $0x48, s28, s9, $0xb8;
	[tilespmem:$0x19000] =	vst v63  }
0x1a: {  	s30 =	simm.s32 $0x180  }
0x1b: {  	[tilespmem:s13], [sflag:$0x1] =	stream.indirect.gather [hbm4b:s3+s9], $0x48, s30, s9, $0xb8;
	[tilespmem:$0x19000] =	vst v63  }
0x1c: {  	s31 =	simm.s32 $0x200  }
0x1d: {  	[tilespmem:s14], [sflag:$0x1] =	stream.indirect.gather [hbm4b:s3+s9], $0x48, s31, s9, $0xb8;
	[tilespmem:$0x19000] =	vst v63  }
0x1e: {  	s25 =	simm.s32 $0x280  }
0x1f: {  	[tilespmem:s15], [sflag:$0x2] =	stream.indirect.gather [hbm4b:s3+s9], $0x48, s25, s9, $0xb8;
	[tilespmem:$0x19000] =	vst v63  }
0x20: {  	s26 =	simm.s32 $0x300  }
0x21: {  	[tilespmem:s16], [sflag:$0x2] =	stream.indirect.gather [hbm4b:s3+s9], $0x48, s26, s9, $0xb8;
	[tilespmem:$0x19000] =	vst v63  }
0x22: {  	s28 =	simm.s32 $0x380  }
0x23: {  	[tilespmem:s17], [sflag:$0x2] =	stream.indirect.gather [hbm4b:s3+s9], $0x48, s28, s9, $0xb8;
	[tilespmem:$0x19000] =	vst v63  }
0x24: {  	s30 =	simm.s32 $0x400  }
0x25: {  	[tilespmem:s18], [sflag:$0x2] =	stream.indirect.gather [hbm4b:s3+s9], $0x48, s30, s9, $0xb8;
	[tilespmem:$0x19000] =	vst v63  }
0x26: {  	s31 =	simm.s32 $0x480  }
0x27: {  	[tilespmem:s19], [sflag:$0x2] =	stream.indirect.gather [hbm4b:s3+s9], $0x48, s31, s9, $0xb8;
	[tilespmem:$0x19000] =	vst v63  }
0x28: {  	_ =	swait.ge [sflag:s20], $0x2400  }
0x29: {  	[sflag:s20] =	ssyncset.done $0x0  }
0x2a: {  	[sflag:s20] =	ssyncadd.s32 $0xFFFFDC00  }
0x2b: {  	_ =	swait.ge [sflag:s20], $0x2400  }
0x2c: {  	[sflag:s20] =	ssyncset.done $0x0  }
0x2d: {  	[sflag:s20] =	ssyncadd.s32 $0xFFFFDC00  }
0x2e: {  	_ =	swait.ge [sflag:s20], $0x2400  }
0x2f: {  	[sflag:s20] =	ssyncset.done $0x0  }
0x30: {  	[sflag:s20] =	ssyncadd.s32 $0xFFFFDC00  }
0x31: {  	_ =	swait.ge [sflag:s20], $0x2400  }
0x32: {  	[sflag:s20] =	ssyncset.done $0x0  }
0x33: {  	[sflag:s20] =	ssyncadd.s32 $0xFFFFDC00  }
0x34: {  	_ =	swait.ge [sflag:s20], $0x2400  }
0x35: {  	[sflag:s20] =	ssyncset.done $0x0  }
0x36: {  	[sflag:s20] =	ssyncadd.s32 $0xFFFFDC00  }
0x37: {  	[hbm4b:s6+s2] =	stream.linear.scatter [tilespmem:s10], [sflag:$0x3], $0xB400, $0x38;
	[tilespmem:$0x19000] =	vst v63  }
0x38: {  	_ =	swait.ge [sflag:s21], $0x2400  }
0x39: {  	[sflag:s21] =	ssyncset.done $0x0  }
0x3a: {  	[sflag:s21] =	ssyncadd.s32 $0xFFFFDC00  }
0x3b: {  	_ =	swait.ge [sflag:s21], $0x2400  }
0x3c: {  	[sflag:s21] =	ssyncset.done $0x0  }
0x3d: {  	[sflag:s21] =	ssyncadd.s32 $0xFFFFDC00  }
0x3e: {  	_ =	swait.ge [sflag:s21], $0x2400  }
0x3f: {  	[sflag:s21] =	ssyncset.done $0x0  }
0x40: {  	[sflag:s21] =	ssyncadd.s32 $0xFFFFDC00  }
0x41: {  	_ =	swait.ge [sflag:s21], $0x2400  }
0x42: {  	[sflag:s21] =	ssyncset.done $0x0  }
0x43: {  	[sflag:s21] =	ssyncadd.s32 $0xFFFFDC00  }
0x44: {  	_ =	swait.ge [sflag:s21], $0x2400  }
0x45: {  	[sflag:s21] =	ssyncset.done $0x0  }
0x46: {  	[sflag:s21] =	ssyncadd.s32 $0xFFFFDC00  }
0x47: {  	[hbm4b:s7+s2] =	stream.linear.scatter [tilespmem:s15], [sflag:$0x3], $0xB400, $0x38;
	[tilespmem:$0x19000] =	vst v63  }
0x48: {  	_ =	swait.ge [sflag:s22], $0xB400  }
0x49: {  	[sflag:s22] =	ssyncset.done $0x0  }
0x4a: {  	[sflag:s22] =	ssyncadd.s32 $0xFFFF4C00  }
0x4b: {  	s29 =	simm.s32 $0x2800;
	s24 =	sadd.s32 $0x2D00, s7;
	_ =	swait.ge [sflag:s22], $0xB400  }
0x4c: {  	s25 =	sadd.s32 $0x2D00, s6;
	s26 =	simm.s32 $0x1400;
	[sflag:s22] =	ssyncset.done $0x0  }
.LBB2_2:
0x4d: {  	s30 =	sshra.s32 s26, $0x2  }
0x4e: {  	[sflag:s22] =	ssyncadd.s32 $0xFFFF4C00;
	s26 =	smov.u32 s29;
	s28 =	sadd.s32 $0x1400, s29  }
0x4f: {  	[tilespmem:s10], [sflag:$0x1] =	stream.indirect.gather [hbm4b:s3+s9], $0x48, s30, s9, $0xb8;
	[tilespmem:$0x19000] =	vst v63  }
0x50: {  	p0 =	sne.s32 s29, $0x8C00;
	s29 =	sadd.s32 $0x80, s30  }
0x51: {  	[tilespmem:s11], [sflag:$0x1] =	stream.indirect.gather [hbm4b:s3+s9], $0x48, s29, s9, $0xb8;
	[tilespmem:$0x19000] =	vst v63  }
0x52: {  	s29 =	sadd.s32 $0x100, s30  }
0x53: {  	[tilespmem:s12], [sflag:$0x1] =	stream.indirect.gather [hbm4b:s3+s9], $0x48, s29, s9, $0xb8;
	[tilespmem:$0x19000] =	vst v63  }
0x54: {  	s29 =	sadd.s32 $0x180, s30  }
0x55: {  	[tilespmem:s13], [sflag:$0x1] =	stream.indirect.gather [hbm4b:s3+s9], $0x48, s29, s9, $0xb8;
	[tilespmem:$0x19000] =	vst v63  }
0x56: {  	s29 =	sadd.s32 $0x200, s30  }
0x57: {  	[tilespmem:s14], [sflag:$0x1] =	stream.indirect.gather [hbm4b:s3+s9], $0x48, s29, s9, $0xb8;
	[tilespmem:$0x19000] =	vst v63  }
0x58: {  	s29 =	sadd.s32 $0x280, s30  }
0x59: {  	[tilespmem:s15], [sflag:$0x2] =	stream.indirect.gather [hbm4b:s3+s9], $0x48, s29, s9, $0xb8;
	[tilespmem:$0x19000] =	vst v63  }
0x5a: {  	s29 =	sadd.s32 $0x300, s30  }
0x5b: {  	[tilespmem:s16], [sflag:$0x2] =	stream.indirect.gather [hbm4b:s3+s9], $0x48, s29, s9, $0xb8;
	[tilespmem:$0x19000] =	vst v63  }
0x5c: {  	s29 =	sadd.s32 $0x380, s30  }
0x5d: {  	[tilespmem:s17], [sflag:$0x2] =	stream.indirect.gather [hbm4b:s3+s9], $0x48, s29, s9, $0xb8;
	[tilespmem:$0x19000] =	vst v63  }
0x5e: {  	s29 =	sadd.s32 $0x400, s30  }
0x5f: {  	[tilespmem:s18], [sflag:$0x2] =	stream.indirect.gather [hbm4b:s3+s9], $0x48, s29, s9, $0xb8;
	[tilespmem:$0x19000] =	vst v63  }
0x60: {  	s29 =	sadd.s32 $0x480, s30  }
0x61: {  	[tilespmem:s19], [sflag:$0x2] =	stream.indirect.gather [hbm4b:s3+s9], $0x48, s29, s9, $0xb8;
	[tilespmem:$0x19000] =	vst v63  }
0x62: {  	_ =	swait.ge [sflag:s20], $0x2400  }
0x63: {  	[sflag:s20] =	ssyncset.done $0x0  }
0x64: {  	[sflag:s20] =	ssyncadd.s32 $0xFFFFDC00  }
0x65: {  	_ =	swait.ge [sflag:s20], $0x2400  }
0x66: {  	[sflag:s20] =	ssyncset.done $0x0  }
0x67: {  	[sflag:s20] =	ssyncadd.s32 $0xFFFFDC00  }
0x68: {  	_ =	swait.ge [sflag:s20], $0x2400  }
0x69: {  	[sflag:s20] =	ssyncset.done $0x0  }
0x6a: {  	[sflag:s20] =	ssyncadd.s32 $0xFFFFDC00  }
0x6b: {  	_ =	swait.ge [sflag:s20], $0x2400  }
0x6c: {  	[sflag:s20] =	ssyncset.done $0x0  }
0x6d: {  	[sflag:s20] =	ssyncadd.s32 $0xFFFFDC00  }
0x6e: {  	_ =	swait.ge [sflag:s20], $0x2400  }
0x6f: {  	[sflag:s20] =	ssyncset.done $0x0  }
0x70: {  	[sflag:s20] =	ssyncadd.s32 $0xFFFFDC00  }
0x71: {  	[hbm4b:s25+s2] =	stream.linear.scatter [tilespmem:s10], [sflag:$0x3], $0xB400, $0x38;
	[tilespmem:$0x19000] =	vst v63  }
0x72: {  	_ =	swait.ge [sflag:s21], $0x2400  }
0x73: {  	[sflag:s21] =	ssyncset.done $0x0  }
0x74: {  	[sflag:s21] =	ssyncadd.s32 $0xFFFFDC00  }
0x75: {  	_ =	swait.ge [sflag:s21], $0x2400  }
0x76: {  	[sflag:s21] =	ssyncset.done $0x0  }
0x77: {  	[sflag:s21] =	ssyncadd.s32 $0xFFFFDC00  }
0x78: {  	_ =	swait.ge [sflag:s21], $0x2400  }
0x79: {  	[sflag:s21] =	ssyncset.done $0x0  }
0x7a: {  	[sflag:s21] =	ssyncadd.s32 $0xFFFFDC00  }
0x7b: {  	_ =	swait.ge [sflag:s21], $0x2400  }
0x7c: {  	[sflag:s21] =	ssyncset.done $0x0  }
0x7d: {  	[sflag:s21] =	ssyncadd.s32 $0xFFFFDC00  }
0x7e: {  	_ =	swait.ge [sflag:s21], $0x2400  }
0x7f: {  	[sflag:s21] =	ssyncset.done $0x0  }
0x80: {  	[sflag:s21] =	ssyncadd.s32 $0xFFFFDC00  }
0x81: {  	[hbm4b:s24+s2] =	stream.linear.scatter [tilespmem:s15], [sflag:$0x3], $0xB400, $0x38;
	[tilespmem:$0x19000] =	vst v63  }
.Ltmp0:
0x82: {  	_ =	swait.ge [sflag:s22], $0xB400;
	(pc) =	sbr.rel @p0 .LBB2_2-.Ltmp0, $4  }
0x83: {  	[sflag:s22] =	ssyncset.done $0x0  }
0x84: {  	[sflag:s22] =	ssyncadd.s32 $0xFFFF4C00  }
0x85: {  	s29 =	smov.u32 s28;
	_ =	swait.ge [sflag:s22], $0xB400  }
0x86: {  	s25 =	sadd.s32 $0x2D00, s25;
	s24 =	sadd.s32 $0x2D00, s24;
	[sflag:s22] =	ssyncset.done $0x0  }
0x87: {  	s26 =	sshra.s32 s26, $0x2;
	[sflag:s22] =	ssyncadd.s32 $0xFFFF4C00  }
0x88: {  	[tilespmem:s10], [sflag:$0x1] =	stream.indirect.gather [hbm4b:s3+s9], $0x48, s26, s9, $0xb8;
	[tilespmem:$0x19000] =	vst v63  }
0x89: {  	s28 =	sadd.s32 $0x80, s26  }
0x8a: {  	[tilespmem:s11], [sflag:$0x1] =	stream.indirect.gather [hbm4b:s3+s9], $0x48, s28, s9, $0xb8;
	[tilespmem:$0x19000] =	vst v63  }
0x8b: {  	s31 =	sadd.s32 $0x100, s26  }
0x8c: {  	[tilespmem:s12], [sflag:$0x1] =	stream.indirect.gather [hbm4b:s3+s9], $0x48, s31, s9, $0xb8;
	[tilespmem:$0x19000] =	vst v63  }
0x8d: {  	s29 =	sadd.s32 $0x180, s26  }
0x8e: {  	[tilespmem:s13], [sflag:$0x1] =	stream.indirect.gather [hbm4b:s3+s9], $0x48, s29, s9, $0xb8;
	[tilespmem:$0x19000] =	vst v63  }
0x8f: {  	s30 =	sadd.s32 $0x200, s26  }
0x90: {  	[tilespmem:s14], [sflag:$0x1] =	stream.indirect.gather [hbm4b:s3+s9], $0x48, s30, s9, $0xb8;
	[tilespmem:$0x19000] =	vst v63  }
0x91: {  	s31 =	sadd.s32 $0x280, s26  }
0x92: {  	[tilespmem:s15], [sflag:$0x2] =	stream.indirect.gather [hbm4b:s3+s9], $0x48, s31, s9, $0xb8;
	[tilespmem:$0x19000] =	vst v63  }
0x93: {  	s29 =	sadd.s32 $0x300, s26  }
0x94: {  	[tilespmem:s16], [sflag:$0x2] =	stream.indirect.gather [hbm4b:s3+s9], $0x48, s29, s9, $0xb8;
	[tilespmem:$0x19000] =	vst v63  }
0x95: {  	s30 =	sadd.s32 $0x380, s26  }
0x96: {  	[tilespmem:s17], [sflag:$0x2] =	stream.indirect.gather [hbm4b:s3+s9], $0x48, s30, s9, $0xb8;
	[tilespmem:$0x19000] =	vst v63  }
0x97: {  	s31 =	sadd.s32 $0x400, s26  }
0x98: {  	[tilespmem:s18], [sflag:$0x2] =	stream.indirect.gather [hbm4b:s3+s9], $0x48, s31, s9, $0xb8;
	[tilespmem:$0x19000] =	vst v63  }
0x99: {  	s26 =	sadd.s32 $0x480, s26  }
0x9a: {  	[tilespmem:s19], [sflag:$0x2] =	stream.indirect.gather [hbm4b:s3+s9], $0x48, s26, s9, $0xb8;
	[tilespmem:$0x19000] =	vst v63  }
0x9b: {  	_ =	swait.ge [sflag:s20], $0x2400  }
0x9c: {  	[sflag:s20] =	ssyncset.done $0x0  }
0x9d: {  	[sflag:s20] =	ssyncadd.s32 $0xFFFFDC00  }
0x9e: {  	_ =	swait.ge [sflag:s20], $0x2400  }
0x9f: {  	[sflag:s20] =	ssyncset.done $0x0  }
0xa0: {  	[sflag:s20] =	ssyncadd.s32 $0xFFFFDC00  }
0xa1: {  	_ =	swait.ge [sflag:s20], $0x2400  }
0xa2: {  	[sflag:s20] =	ssyncset.done $0x0  }
0xa3: {  	[sflag:s20] =	ssyncadd.s32 $0xFFFFDC00  }
0xa4: {  	_ =	swait.ge [sflag:s20], $0x2400  }
0xa5: {  	[sflag:s20] =	ssyncset.done $0x0  }
0xa6: {  	[sflag:s20] =	ssyncadd.s32 $0xFFFFDC00  }
0xa7: {  	_ =	swait.ge [sflag:s20], $0x2400  }
0xa8: {  	[sflag:s20] =	ssyncset.done $0x0  }
0xa9: {  	[sflag:s20] =	ssyncadd.s32 $0xFFFFDC00  }
0xaa: {  	[hbm4b:s25+s2] =	stream.linear.scatter [tilespmem:s10], [sflag:$0x3], $0xB400, $0x38;
	[tilespmem:$0x19000] =	vst v63  }
0xab: {  	_ =	swait.ge [sflag:s21], $0x2400  }
0xac: {  	[sflag:s21] =	ssyncset.done $0x0  }
0xad: {  	[sflag:s21] =	ssyncadd.s32 $0xFFFFDC00  }
0xae: {  	_ =	swait.ge [sflag:s21], $0x2400  }
0xaf: {  	[sflag:s21] =	ssyncset.done $0x0  }
0xb0: {  	[sflag:s21] =	ssyncadd.s32 $0xFFFFDC00  }
0xb1: {  	_ =	swait.ge [sflag:s21], $0x2400  }
0xb2: {  	[sflag:s21] =	ssyncset.done $0x0  }
0xb3: {  	[sflag:s21] =	ssyncadd.s32 $0xFFFFDC00  }
0xb4: {  	_ =	swait.ge [sflag:s21], $0x2400  }
0xb5: {  	[sflag:s21] =	ssyncset.done $0x0  }
0xb6: {  	[sflag:s21] =	ssyncadd.s32 $0xFFFFDC00  }
0xb7: {  	_ =	swait.ge [sflag:s21], $0x2400  }
0xb8: {  	[sflag:s21] =	ssyncset.done $0x0  }
0xb9: {  	s23 =	sadd.s32 $0x1, s23;
	[sflag:s21] =	ssyncadd.s32 $0xFFFFDC00  }
0xba: {  	[hbm4b:s24+s2] =	stream.linear.scatter [tilespmem:s15], [sflag:$0x3], $0xB400, $0x38;
	[tilespmem:$0x19000] =	vst v63  }
0xbb: {  	p0 =	sne.s32 s23, s5;
	_ =	swait.ge [sflag:s22], $0xB400  }
.Ltmp1:
0xbc: {  	[sflag:s22] =	ssyncset.done $0x0;
	(pc) =	sbr.rel @p0 .LBB2_1-.Ltmp1, $4  }
0xbd: {  	[sflag:s22] =	ssyncadd.s32 $0xFFFF4C00  }
0xbe: {  	_ =	swait.ge [sflag:s22], $0xB400  }
0xbf: {  	[sflag:s22] =	ssyncset.done $0x0  }
0xc0: {  	[sflag:s22] =	ssyncadd.s32 $0xFFFF4C00  }
0xc1: {  	_ =	sfence.sel $0x180000  }
0xc2: {  	[bflag:$0x0] =	sbarrier.arrive $0xFFFF  }
0xc3: {  	p0 =	sne.s32 s0, $0x0;
	_ =	strace $0x90000047  }
0xc4: {  	s0 =	sadd.s32 @!p0 $0x100000, s1;
	[bflag:$0x2] =	sbarrier.arrive $0xFFFF  }
0xc5: {  	[sflag:s0] =	ssyncadd.tile.s32 @!p0 $0x1;
	_ =	shalt  }
.Lfunc_end2:
_tile_overlayer_lowered:
.L_overlay_start_2:
0xc6: {  	(tag) =	ssettag $0x2  }
0xc7: {  	s0 =	rddreg [dreg:$0x0];
	s2 =	stileid.u32  }
0xc8: {  	s1 =	rddreg [dreg:$0x1];
	p0 =	sne.s32 s2, $0x0  }
0xc9: {  	s3 =	rddreg [dreg:$0x2];
	[bflag:$0x3] =	sbarrier.arrive $0xFFFF;
	s2 =	simm.s32 @!p0 $0x1C04  }
0xca: {  	[timem:s3], [sflag:s2] =	dma.local @!p0 [hbm:s0], s1  }
0xcb: {  	s0 =	simm.s32 @!p0 $0x4  }
0xcc: {  	_ =	swait.ge @!p0 [sflag:s0], s1  }
0xcd: {  	s1 =	ssub.s32 @!p0 $0x0, s1;
	[sflag:s0] =	ssyncset.done @!p0 $0x0  }
0xce: {  	[sflag:s0] =	ssyncadd.s32 @!p0 s1  }
0xcf: {  	[bflag:$0x3] =	sbarrier.arrive $0xFFFF  }
0xd0: {  	_ =	shalt  }

// kernel: sparse-core-data-format-call.cloned.1.call-start
scs
called_computation_lowered:
.L_overlay_start_0:
0x0: {  	s2 =	sld [smem:$0x3FD9]  }
0x1: {  	s3 =	sld [smem:$0x3FFE];
	_ =	sdelay $0x1  }
0x2: {  	s1 =	srdreg.scid  }
0x3: {  	s0 =	sand.u32 $0x1, s1  }
0x4: {  	s18 =	sshll.u32 s0, $0xA;
	s2 =	sadd.s32 s3, s2  }
0x5: {  	s2 =	sadd.s32 s2, s18  }
0x6: {  	[smem:$0x3FBE] =	sst s2  }
0x7: {  	_ = 	snop  }
0x8: {  	s2 =	sld [smem:$0x3FD0];
	(tm) =	ssettm $0x1  }
0x9: {  	s19 =	sld [smem:$0x3FFB];
	_ =	sdelay $0x3  }
0xa: {  	_ =	strace s19  }
0xb: {  	s3 =	sld [smem:$0x3FFC];
	_ =	sdelay $0x3  }
0xc: {  	_ =	strace s3  }
0xd: {  	s3 =	sld [smem:$0x3FFD];
	_ =	sdelay $0x3  }
0xe: {  	_ =	strace s3  }
0xf: {  	_ =	strace $0x8FFFFFFF  }
0x10: {  	s20 =	sld [smem:$0x3FDB];
	_ =	sdelay $0x1  }
0x11: {  	s4 =	simm.s32 $_scs_section_size  }
0x12: {  	s5 =	simm.s32 $_size__tile_overlayer_lowered;
	s6 =	simm.s32 $_tile_overlayer_lowered  }
0x13: {  	s23 =	simm.s32 $0x1BFF;
	s22 =	sshll.u32 s6, $0x1;
	s3 =	sadd.s32 s4, s20  }
0x14: {  	s7 =	simm.s32 $0x0;
	s21 =	sshll.u32 s5, $0x1;
	s5 =	sadd.s32 s22, s3  }
0x15: {  	[timem:s7], [sflag:s23] =	dma.local [hbm:s5], s21  }
0x16: {  	_ =	swait.ge [sflag:s23], s21  }
0x17: {  	s4 =	ssub.s32 $0x0, s21;
	[sflag:s23] =	ssyncset.done $0x0  }
0x18: {  	[sflag:s23] =	ssyncadd.s32 s4;
	_ =	sdelay $0x1  }
0x19: {  	s24 =	simm.s32 $0x1B8B  }
0x1a: {  	_ =	swait.ge [sflag:s24], $0x1  }
0x1b: {  	[sflag:s24] =	ssyncset.done $0x0  }
0x1c: {  	s26 =	simm.s32 $0x1B8E;
	s25 =	sld [smem:$0x3FFE];
	[sflag:s24] =	ssyncadd.s32 $0xFFFFFFFF  }
0x1d: {  	s27 =	simm.s32 $execute0_lowered;
	[smem:$0x3FD2] =	sst s26  }
0x1e: {  	s5 =	sshll.u32 s27, $0x1;
	_ =	strace $0x80000049;
	[dreg:$0x1] =	wrdreg $0xFFFFFFFF  }
0x1f: {  	s28 =	simm.s32 $_size_execute0_lowered;
	s3 =	sadd.s32 s3, s5;
	[dreg:$0x0] =	wrdreg $0x0  }
0x20: {  	s5 =	sshll.u32 s28, $0x1;
	[dreg:$0x2] =	wrdreg s3  }
0x21: {  	[dreg:$0x3] =	wrdreg s5  }
0x22: {  	[dreg:$0x4] =	wrdreg $0xC0  }
0x23: {  	_ =	task [dreg:s7], $0x5FFFF  }
0x24: {  	[dreg:$0x1] =	wrdreg $0xFFFFFFFF  }
0x25: {  	[dreg:$0x0] =	wrdreg $0x60  }
0x26: {  	[dreg:$0x2] =	wrdreg s25  }
0x27: {  	[dreg:$0x3] =	wrdreg s2  }
0x28: {  	[dreg:$0x4] =	wrdreg $0x9  }
0x29: {  	_ =	task.clear_ibuf [dreg:s7], $0x5FFFF;
	_ =	strace $0x90000049  }
0x2a: {  	s29 =	simm.s32 $0x9;
	_ =	strace $0x8000004B  }
0x2b: {  	_ =	swait.ge [sflag:s29], $0x1  }
0x2c: {  	[sflag:s29] =	ssyncadd.s32 $0xFFFFFFFF  }
0x2d: {  	_ =	strace $0x9000004B  }
0x2e: {  	_ =	sfence  }
0x2f: {  	s30 =	sld [smem:$0x0];
	_ =	sdelay $0x2  }
0x30: {  	s31 =	sshll.u32 s1, $0xD;
	s1 =	sshrl.u32 s1, $0x2  }
0x31: {  	s3 =	sand.u32 $0x4000, s31;
	s1 =	sadd.s32 s1, s30  }
0x32: {  	s0 =	sor.u32 s3, s0;
	s1 =	sshll.u32 s1, $0x11  }
0x33: {  	s0 =	sor.u32 s1, s0  }
0x34: {  	s0 =	sadd.s32 $0x8F2B, s0  }
0x35: {  	[sflag:s0] =	ssyncadd.remote.s32 $0x1  }
0x36: {  	_ =	sfence.sel $0xFFFF  }
0x37: {  	[dreg:$0x0] =	wrdreg $0xFFFFFFFF;
	(pc) =	sbr.abs _section_cstart, $3  }
0x38: {  	[dreg:$0x1] =	wrdreg $0xFFFFFFFF  }
0x39: {  	_ =	task.clear_ibuf [dreg:s7], $0x2FFFF;
	_ =	strace $0x9FFFFFFF  }
0x3a: {  	(tm) =	ssettm $0x7FFFFFFF  }
0x3b: {  	_ =	shalt  }
tec
execute0_lowered:
.L_overlay_start_1:
0x0: {  	(tag) =	ssettag $0x1  }
0x1: {  	s0 =	srdreg.scid  }
0x2: {  	s1 =	sshll.u32 s0, $0x4  }
0x3: {  	s6 =	rddreg [dreg:$0x0];
	s0 =	stileid.u32;
	s1 =	sand.u32 $0x10, s1  }
0x4: {  	s3 =	rddreg [dreg:$0x1];
	s1 =	sor.u32 s0, s1  }
0x5: {  	s5 =	simm.s32 $0x1;
	s31 =	simm.s32 $0x2;
	s2 =	sshll.u32 s1, $0x7  }
0x6: {  	s15 =	simm.s32 $0x0;
	s8 =	simm.s32 $0x20000;
	s4 =	ssub.s32 $0x4000, s2  }
0x7: {  	s14 =	simm.s32 $0x0;
	s9 =	simm.s32 $0x0;
	s30 =	sand.u32 $0xF80, s4  }
0x8: {  	s10 =	simm.s32 $0x0;
	s11 =	simm.s32 $0x0;
	p0 =	sne.s32 s30, $0x0  }
.Ltmp0:
0x9: {  	s7 =	sshrl.u32 s4, $0xC;
	s5 =	simm.s32 @!p0 $0x0;
	(pc) =	sbr.rel .LBB1_1-.Ltmp0, $4  }
0xa: {  	s13 =	simm.s32 $0x0;
	s1 =	rddreg [dreg:$0x2];
	s5 =	sadd.s32 s5, s7  }
0xb: {  	_ =	strace $0x8000004A;
	s4 =	simm.s32 $0x1;
	s5 =	smul.u32 $0x14, s5  }
0xc: {  	s6 =	sadd.s32 $0x501A00, s6;
	s12 =	smov.u32 s2;
	[sflag:s4] =	ssyncpa.u1 $0x0  }
0xd: {  	[sflag:s31] =	ssyncpa.u1 $0x0;
	p0 =	por $0x0, $0x0;
	s7 =	sor.u32 $0x1, s5  }
.LBB1_4:
0xe: {  	s20 =	sshra.s32 s20, $0x2;
	s28 =	sshll.u32 s10, $0x3;
	p1 =	sgt.s32 s9, $0x13  }
0xf: {  	s21 =	smov.u32 s9;
	s23 =	sshra.s32 s9, $0x1F;
	s24 =	smov.u32 s10  }
0x10: {  	v5 =	vld [tilespmem:s17+$0xFFFFFFD0];
	[tilespmem:s18+$0x2040 ss:$0x81] =	vst.msk $0xffff, v4;
	s25 =	sshra.s32 s10, $0x1F;
	s26 =	sand.u32 $0x78, s10;
	s19 =	sadd.s32 s20, s19  }
0x11: {  	v58 =	vld [tilespmem:s17+$0xFFFFFFE0];
	[tilespmem:s18+$0x2850 ss:$0x81] =	vst.msk $0xffff, v3;
	s22 =	sshrl.u32 s28, $0xE;
	s21 =	simm.s32 @!p1 $0x13;
	s23 =	sand.u32 s23, s9  }
0x12: {  	v59 =	vld [tilespmem:s17+$0xFFFFFFF0];
	[tilespmem:s18+$0x3060 ss:$0x81] =	vst.msk $0xffff, v2;
	p1 =	sgt.s32 s10, $0x3F80;
	s29 =	sand.u32 s25, s10;
	s20 =	sand.u32 $0x3C00, s28  }
0x13: {  	v60 =	vld [tilespmem:s17+$0x0];
	[tilespmem:s18+$0x0 ss:$0x81] =	vst.msk $0xffff, v0;
	s28 =	smul.u32 $0x24000, s9;
	s21 =	ssub.s32 s21, s23;
	s24 =	simm.s32 @!p1 $0x3F80  }
0x14: {  	v61 =	vld [tilespmem:s17+$0x10];
	s30 =	smulhi.u32 $0x38E38E4, s22;
	[tilespmem:s19+$0x3870 ss:$0x81] =	vst.msk $0xffff, v1;
	s20 =	sor.u32 s26, s20;
	s31 =	ssub.s32 $0x14, s21  }
0x15: {  	v62 =	vld [tilespmem:s17+$0x20];
	s23 =	ssub.s32 s24, s29;
	s21 =	sadd.s32 $0xFFFFFFED, s21;
	s25 =	smul.u32 $0x48, s31;
	[tilespmem:s19+$0x810 ss:$0x81] =	vst.msk $0xffff, v5  }
0x16: {  	v63 =	vld [tilespmem:s17+$0xFFFFFFC0];
	s18 =	smul.u32 $0x48, s30;
	p1 =	sgt.s32 s21, $0x0;
	s27 =	sadd.s32 $0xFFFFC080, s23;
	[tilespmem:s19+$0x1020 ss:$0x81] =	vst.msk $0xffff, v58  }
0x17: {  	s17 =	ssub.s32 $0x4000, s23;
	[tilespmem:s19+$0x1830 ss:$0x81] =	vst.msk $0xffff, v59;
	s25 =	simm.s32 @p1 $0x0;
	p1 =	sgt.s32 s27, $0x7F  }
0x18: {  	s29 =	sand.u32 $0x7, s10;
	[tilespmem:s19+$0x2040 ss:$0x81] =	vst.msk $0xffff, v60;
	s18 =	ssub.s32 s22, s18;
	s17 =	simm.s32 @p1 $0x0  }
0x19: {  	s21 =	sadd.s32 s3, s28;
	[tilespmem:s19+$0x2850 ss:$0x81] =	vst.msk $0xffff, v61;
	s18 =	sshll.u32 s18, $0xB;
	s17 =	smul.u32 s17, s25  }
0x1a: {  	s20 =	sshrl.u32 s20, $0x3;
	s30 =	sshll.u32 s29, $0x12;
	[tilespmem:s19+$0x3060 ss:$0x81] =	vst.msk $0xffff, v62;
	s18 =	sadd.s32 s18, s21  }
0x1b: {  	[tilespmem:s19+$0x0 ss:$0x81] =	vst.msk $0xffff, v63;
	s31 =	sor.u32 $0x400, s30;
	s18 =	sadd.s32 s20, s18;
	s17 =	sand.u32 $0x3FFFFFF8, s17  }
0x1c: {  	[hbm4b:s18+s31] =	stream.strided.scatter [tilespmem:s16], [sflag:$0x2], s17, s8, s31, $0x20;
	[tilespmem:$0x10100] =	vst v63  }
.LBB1_5:
0x1d: {  	p1 =	slt.u32 s13, $0x2  }
0x1e: {  	s17 =	smov.u32 s15;
	p2 =	sgt.s32 @!p1 s15, $0x13;
	s16 =	sshra.s32 @!p1 s15, $0x1F  }
0x1f: {  	p3 =	sgt.s32 @!p1 s14, $0x3F80;
	s18 =	sshra.s32 @!p1 s14, $0x1F;
	p2 =	por !p2, p1  }
0x20: {  	s15 =	sand.u32 @!p1 s16, s15;
	p3 =	por !p3, p1;
	s16 =	smov.u32 s14  }
0x21: {  	s14 =	sand.u32 @!p1 s18, s14;
	s17 =	simm.s32 @p2 $0x13;
	s16 =	simm.s32 @p3 $0x3F80  }
0x22: {  	s18 =	smov.u32 s12;
	s15 =	ssub.s32 @!p1 s17, s15;
	s14 =	ssub.s32 @!p1 s16, s14  }
0x23: {  	s16 =	sadd.s32 @!p1 $0xFFFFFFED, s15;
	s15 =	ssub.s32 @!p1 $0x14, s15;
	s17 =	sadd.s32 @!p1 $0xFFFFC080, s14  }
0x24: {  	p2 =	sgt.s32 @!p1 s16, $0x0;
	s15 =	smul.u32 @!p1 $0x48, s15;
	p3 =	sgt.s32 @!p1 s17, $0x7F  }
0x25: {  	s14 =	ssub.s32 @!p1 $0x4000, s14;
	p2 =	por !p2, p1;
	p3 =	por !p3, p1  }
0x26: {  	s16 =	sadd.s32 $0x1, s11;
	s15 =	simm.s32 @!p2 $0x0;
	s14 =	simm.s32 @!p3 $0x0  }
0x27: {  	p2 =	sgt.s32 s16, $0x13;
	s14 =	smul.u32 @!p1 s14, s15;
	s15 =	sadd.s32 $0x1000, s12  }
0x28: {  	s18 =	smov.u32 @p2 s15  }
0x29: {  	s16 =	simm.s32 @p2 $0x0;
	p2 =	sgt.s32 s18, $0x3FFF  }
0x2a: {  	s18 =	smov.u32 @p2 s2;
	p2 =	sne.s32 s13, s7  }
.Ltmp1:
0x2b: {  	p0 =	por !p0, !p0;
	s17 =	simm.s32 @!p1 $0x2;
	(pc) =	sbr.rel @!p2 .LBB1_6-.Ltmp1, $4  }
0x2c: {  	s15 =	smov.u32 s9;
	s9 =	smov.u32 s11;
	s14 =	sand.u32 @!p1 $0x3FFFFFF8, s14  }
0x2d: {  	s11 =	smov.u32 s16;
	_ =	swait.ge @!p1 [sflag:s17], s14;
	s19 =	ssub.s32 @!p1 $0x0, s14  }
0x2e: {  	s14 =	smov.u32 s10;
	s13 =	sadd.s32 $0x1, s13;
	[sflag:s17] =	ssyncset.done @!p1 $0x0  }
0x2f: {  	s10 =	smov.u32 s12;
	s12 =	smov.u32 s18;
	[sflag:s17] =	ssyncadd.s32 @!p1 s19  }
.LBB1_1:
0x30: {  	p1 =	sge.u32 s13, s5  }
0x31: {  	s16 =	sand.u32 @!p1 $0x1FFFFFF, s11  }
0x32: {  	s17 =	smulhi.u32 @!p1 $0xAAAAAAB, s16;
	_ =	sdelay $0x1  }
0x33: {  	s17 =	smul.u32 @!p1 $0x18, s17  }
0x34: {  	s18 =	sxor.u32 @!p1 $0xFFFFFFFF, s13;
	s19 =	smul.u32 @!p1 $0x180, s12  }
0x35: {  	s31 =	sadd.s32 $0xFFFFFFFF, s13;
	s18 =	sshll.u32 @!p1 s18, $0xE;
	s16 =	ssub.s32 @!p1 s16, s17  }
0x36: {  	s17 =	sand.u32 @!p1 $0x4000, s18;
	s18 =	sadd.s32 @!p1 s6, s19;
	s16 =	sshll.u32 @!p1 s16, $0x4  }
0x37: {  	s19 =	simm.s32 @!p1 $0xC00;
	s16 =	sadd.s32 @!p1 s16, s18;
	s18 =	simm.s32 @!p1 $0x80  }
0x38: {  	[tilespmem:s17], [sflag:$0x1] =	stream.strided.gather @!p1 [hbm4b:s16+s18], $0x4000, s19, s18, $0x38;
	[tilespmem:$0x10100] =	vst v63  }
0x39: {  	p1 =	sge.u32 s31, s5  }
.Ltmp2:
0x3a: {  	_ = 	snop;
	(pc) =	sbr.rel @p1 .LBB1_5-.Ltmp2, $1  }
0x3b: {  	_ =	sdelay $0x3  }
0x3c: {  	s16 =	simm.s32 $0x1  }
0x3d: {  	_ =	swait.ge [sflag:s4], $0x4000;
	s16 =	simm.s32 @!p0 $0x0  }
0x3e: {  	[sflag:s4] =	ssyncset.done $0x0;
	s17 =	sshll.u32 s16, $0xE  }
0x3f: {  	[sflag:s4] =	ssyncadd.s32 $0xFFFFC000;
	s17 =	sor.u32 $0x40, s17  }
0x40: {  	s16 =	smul.u32 $0x10200, s16;
	v0 =	vld [tilespmem:s17+$0x30]  }
0x41: {  	v1 =	vld [tilespmem:s17+$0xFFFFFFD0]  }
0x42: {  	s16 =	sshrl.u32 s16, $0x2;
	v5 =	vld [tilespmem:s17+$0xFFFFFFE0]  }
0x43: {  	v6 =	vld [tilespmem:s17+$0xFFFFFFF0];
	s19 =	sor.u32 $0x8000, s16  }
0x44: {  	s31 =	sand.u32 $0x1, s13;
	v4 =	vld [tilespmem:s17+$0x0];
	s18 =	sadd.s32 $0x0, s19  }
0x45: {  	v3 =	vld [tilespmem:s17+$0x10];
	s16 =	smul.u32 $0x10200, s31;
	[tilespmem:s18+$0x3870 ss:$0x81] =	vst.msk $0xffff, v0  }
0x46: {  	v2 =	vld [tilespmem:s17+$0x20];
	[tilespmem:s18+$0x810 ss:$0x81] =	vst.msk $0xffff, v1  }
0x47: {  	s16 =	sshrl.u32 s16, $0x2;
	v0 =	vld [tilespmem:s17+$0xFFFFFFC0];
	[tilespmem:s18+$0x1020 ss:$0x81] =	vst.msk $0xffff, v5;
	s17 =	sadd.s32 $0x80, s17  }
0x48: {  	s20 =	simm.s32 $0x4;
	s21 =	simm.s32 $0x8;
	s16 =	sor.u32 $0x8000, s16;
	[tilespmem:s18+$0x1830 ss:$0x81] =	vst.msk $0xffff, v6;
	v1 =	vld [tilespmem:s17+$0x30]  }
.LBB1_3:
0x49: {  	p1 =	sne.s32 s21, $0x1FC;
	v5 =	vld [tilespmem:s17+$0xFFFFFFD0];
	[tilespmem:s18+$0x2040 ss:$0x81] =	vst.msk $0xffff, v4  }
0x4a: {  	v6 =	vld [tilespmem:s17+$0xFFFFFFE0];
	[tilespmem:s18+$0x2850 ss:$0x81] =	vst.msk $0xffff, v3  }
0x4b: {  	s22 =	sshra.s32 s20, $0x2;
	s20 =	smov.u32 s21;
	v7 =	vld [tilespmem:s17+$0xFFFFFFF0];
	[tilespmem:s18+$0x3060 ss:$0x81] =	vst.msk $0xffff, v2  }
.Ltmp3:
0x4c: {  	v4 =	vld [tilespmem:s17+$0x0];
	[tilespmem:s18+$0x0 ss:$0x81] =	vst.msk $0xffff, v0;
	s18 =	sadd.s32 s22, s19;
	(pc) =	sbr.rel @p1 .LBB1_3-.Ltmp3, $4  }
0x4d: {  	v3 =	vld [tilespmem:s17+$0x10];
	[tilespmem:s18+$0x3870 ss:$0x81] =	vst.msk $0xffff, v1  }
0x4e: {  	[tilespmem:s18+$0x810 ss:$0x81] =	vst.msk $0xffff, v5;
	v2 =	vld [tilespmem:s17+$0x20]  }
0x4f: {  	v0 =	vld [tilespmem:s17+$0xFFFFFFC0];
	[tilespmem:s18+$0x1020 ss:$0x81] =	vst.msk $0xffff, v6;
	s17 =	sadd.s32 $0x80, s17  }
0x50: {  	s21 =	sadd.s32 $0x4, s21;
	v1 =	vld [tilespmem:s17+$0x30];
	[tilespmem:s18+$0x1830 ss:$0x81] =	vst.msk $0xffff, v7  }
.Ltmp4:
0x51: {  	_ = 	snop;
	(pc) =	sbr.rel .LBB1_4-.Ltmp4, $1  }
0x52: {  	_ =	sdelay $0x3  }
.LBB1_6:
0x53: {  	_ =	sfence.sel $0x180000  }
0x54: {  	s2 =	simm.s32 $0x1;
	[bflag:$0x0] =	sbarrier.arrive $0xFFFF  }
0x55: {  	s31 =	simm.s32 $0x2;
	[sflag:s2] =	ssyncpa.u1 $0x1  }
0x56: {  	[sflag:s31] =	ssyncpa.u1 $0x1  }
0x57: {  	p0 =	sne.s32 s0, $0x0;
	_ =	strace $0x9000004A  }
0x58: {  	s0 =	sadd.s32 @!p0 $0x100000, s1;
	[bflag:$0x2] =	sbarrier.arrive $0xFFFF  }
0x59: {  	[sflag:s0] =	ssyncadd.tile.s32 @!p0 $0x1;
	_ =	shalt  }
.Lfunc_end1:
_tile_overlayer_lowered:
.L_overlay_start_2:
0x5a: {  	(tag) =	ssettag $0x2  }
0x5b: {  	s0 =	rddreg [dreg:$0x0];
	s2 =	stileid.u32  }
0x5c: {  	s1 =	rddreg [dreg:$0x1];
	p0 =	sne.s32 s2, $0x0  }
0x5d: {  	s3 =	rddreg [dreg:$0x2];
	[bflag:$0x3] =	sbarrier.arrive $0xFFFF;
	s2 =	simm.s32 @!p0 $0x1C01  }
0x5e: {  	[timem:s3], [sflag:s2] =	dma.local @!p0 [hbm:s0], s1  }
0x5f: {  	s0 =	simm.s32 @!p0 $0x1  }
0x60: {  	_ =	swait.ge @!p0 [sflag:s0], s1  }
0x61: {  	s1 =	ssub.s32 @!p0 $0x0, s1;
	[sflag:s0] =	ssyncset.done @!p0 $0x0  }
0x62: {  	[sflag:s0] =	ssyncadd.s32 @!p0 s1  }
0x63: {  	[bflag:$0x3] =	sbarrier.arrive $0xFFFF  }
0x64: {  	_ =	shalt  }

</sc_bundles>
